<compile_context>
chip_gen: v7x
topology: tpu7x:2x2x1
jax: 0.10.2.dev20260603
libtpu: 0.0.44.dev20260713+nightly
codegen_flags: <defaults>
</compile_context>

<pallas_src>
import dataclasses
import functools

import jax
import jax.numpy as jnp
from jax import lax
from jax.experimental import pallas as pl
from jax.experimental.pallas import tpu as pltpu
from jax.experimental.pallas import tpu_sc as plsc

NC = 2
NS = 16
L = 16
NW = NC * NS

ROWS, COLS = 4096, 200
CPW = ROWS // NW


@jax.jit
def _sc_lookup_t(inputs_t, mapping):
    mesh = plsc.VectorSubcoreMesh(
        core_axis_name="c", subcore_axis_name="s",
        num_cores=NC, num_subcores=NS)
    cp = pltpu.CompilerParams()
    if "needs_layout_passes" in pltpu.CompilerParams.__dataclass_fields__:
        cp = dataclasses.replace(cp, needs_layout_passes=False,
                                 use_tc_tiling_on_sc=True)

    @functools.partial(
        pl.kernel,
        out_type=jax.ShapeDtypeStruct((COLS, ROWS), jnp.int32),
        mesh=mesh,
        scratch_types=[
            pltpu.VMEM((128,), jnp.int32),
            pltpu.VMEM((COLS, CPW), jnp.int32),
            pltpu.VMEM((COLS, CPW), jnp.int32),
            pltpu.SemaphoreType.DMA,
            pltpu.SemaphoreType.DMA,
            pltpu.SemaphoreType.DMA,
            pltpu.SemaphoreType.DMA,
            pltpu.SemaphoreType.DMA,
        ],
        compiler_params=cp,
    )
    def lookup_kernel(in_hbm, map_hbm, out_hbm, table_v, idx_v, out_v,
                      si0, si1, si2, si3, so):
        wid = lax.axis_index("s") * NC + lax.axis_index("c")
        col0 = wid * CPW
        bands = ((0, 56, si0), (56, 56, si1), (112, 56, si2), (168, 32, si3))
        cins = [
            pltpu.async_copy(
                in_hbm.at[pl.ds(r0, nr), pl.ds(col0, CPW)],
                idx_v.at[pl.ds(r0, nr)], sem)
            for r0, nr, sem in bands
        ]
        pltpu.sync_copy(map_hbm, table_v)
        couts = []
        for (r0, nr, _), cin in zip(bands, cins):
            cin.wait()

            @plsc.parallel_loop(r0, r0 + nr, step=1, unroll=4)
            def _(r):
                for o in range(0, CPW, L):
                    idx = idx_v[r, pl.ds(o, L)]
                    out_v[r, pl.ds(o, L)] = plsc.load_gather(table_v, [idx])

            couts.append(pltpu.async_copy(
                out_v.at[pl.ds(r0, nr)],
                out_hbm.at[pl.ds(r0, nr), pl.ds(col0, CPW)], so))
        for cout in couts:
            cout.wait()

    return lookup_kernel(inputs_t, mapping)


def kernel(inputs, mapping):
    return _sc_lookup_t(inputs.T, mapping).T

# --- scband reference (transcript-rebuilt; emitter-appended) ---
"""Pipeline reference for scband-char-mapping-56633438765210 (READ-ONLY COPY).

The authoritative reference and input builder live on the scoring server;
editing this copy changes nothing except your own understanding.
"""

import jax, jax.numpy as jnp
import numpy as np

UNK = '<UNK>'
CHARS = "abcdefghijklmnopqrstuvwxyz" \
        "ABCDEFGHIJKLMNOPQRSTUVWXYZ" \
        "0123456789 .,;:!?'-_()[]"

def _build_mapping():
    # Emulate tf.lookup.StaticHashTable over byte codepoints.
    # id 0 = <UNK> (also the default_value for unseen codepoints).
    chars = [UNK] + list(CHARS)
    chars = list(dict.fromkeys(chars))
    mapping = np.zeros(128, dtype=np.int32)  # default -> 0 (<UNK>)
    for i, c in enumerate(chars):
        if len(c) == 1:  # skip the multi-char <UNK> sentinel
            mapping[ord(c)] = i
    return jnp.asarray(mapping)


def setup_inputs(seed: int = 0) -> dict:
    key = jax.random.key(seed)
    # char codepoints in [0, 128); unseen codepoints map to <UNK>=0
    inputs = jax.random.randint(key, (4096, 200), 0, 128, dtype=jnp.int32)
    mapping = _build_mapping()
    return {"inputs": inputs, "mapping": mapping}


def reference(inputs, mapping):
    # StaticHashTable.lookup == gather from the codepoint->id table
    return jnp.take(mapping, inputs, axis=0)

if __name__ == "__main__":
    import jax
    _d = setup_inputs()
    print(jax.jit(kernel)(*tuple(_d.values())))

</pallas_src>

<mosaic_0001>
#map = affine_map<(d0, d1) -> (0, 0)>
#map1 = affine_map<(d0, d1) -> (0)>
module attributes {stable_mosaic.version = 14 : i64} {
  func.func @lookup_kernel(%arg0: i32, %arg1: i32, %arg2: memref<200x4096xi32, #tpu.memory_space<hbm>>, %arg3: memref<128xi32, #tpu.memory_space<hbm>>, %arg4: memref<200x4096xi32, #tpu.memory_space<hbm>>, %arg5: memref<128xi32, #tpu.memory_space<vmem>>, %arg6: memref<200x128xi32, #tpu.memory_space<vmem>>, %arg7: memref<200x128xi32, #tpu.memory_space<vmem>>, %arg8: memref<!tpu.dma_semaphore, #tpu.memory_space<semaphore_mem>>, %arg9: memref<!tpu.dma_semaphore, #tpu.memory_space<semaphore_mem>>, %arg10: memref<!tpu.dma_semaphore, #tpu.memory_space<semaphore_mem>>, %arg11: memref<!tpu.dma_semaphore, #tpu.memory_space<semaphore_mem>>, %arg12: memref<!tpu.dma_semaphore, #tpu.memory_space<semaphore_mem>>) attributes {dimension_semantics = [#tpu.dimension_semantics<core_parallel>, #tpu.dimension_semantics<subcore_parallel>], iteration_bounds = array<i64: 2, 16>, scalar_prefetch = 0 : i64, scratch_operands = 8 : i64, tpu.core_type = #tpu.core_type<sc_vector_subcore>, window_params = [{transform_indices = #map}, {transform_indices = #map1}, {transform_indices = #map}]} {
    %mul3A = arith.constant 2 : i32
    %mul3A_0 = arith.muli %arg1, %mul3A : i32
    %add3A = arith.addi %mul3A_0, %arg0 : i32
    %mul3A_1 = arith.constant 128 : i32
    %mul3A_2 = arith.muli %add3A, %mul3A_1 : i32
    %dma_start3A = arith.constant 0 : i32
    %dma_start3A_3 = arith.constant 0 : i32
    %dma_start3A_4 = tpu.memref_slice %arg6[%dma_start3A, %dma_start3A_3] : memref<200x128xi32, #tpu.memory_space<vmem>> -> memref<56x128xi32, #tpu.memory_space<vmem>>
    %dma_start3A_5 = arith.constant 0 : i32
    %dma_start3A_6 = tpu.memref_slice %arg2[%dma_start3A_5, %mul3A_2] : memref<200x4096xi32, #tpu.memory_space<hbm>> -> memref<56x128xi32, #tpu.memory_space<hbm>>
    %dma_start3A_7 = arith.constant 0 : i32
    %dma_start3A_8 = arith.constant 0 : i32
    %dma_start3A_9 = tpu.memref_slice %arg6[%dma_start3A_7, %dma_start3A_8] : memref<200x128xi32, #tpu.memory_space<vmem>> -> memref<56x128xi32, #tpu.memory_space<vmem>>
    %dma_start3A_10 = arith.constant 0 : i32
    %dma_start3A_11 = tpu.memref_slice %arg2[%dma_start3A_10, %mul3A_2] : memref<200x4096xi32, #tpu.memory_space<hbm>> -> memref<56x128xi32, #tpu.memory_space<hbm>>
    tpu.enqueue_dma source(%dma_start3A_11 : memref<56x128xi32, #tpu.memory_space<hbm>>) target(%dma_start3A_9 : memref<56x128xi32, #tpu.memory_space<vmem>>) target_semaphore(%arg8 : memref<!tpu.dma_semaphore, #tpu.memory_space<semaphore_mem>>)
    %dma_start3A_12 = arith.constant 56 : i32
    %dma_start3A_13 = arith.constant 0 : i32
    %dma_start3A_14 = tpu.memref_slice %arg6[%dma_start3A_12, %dma_start3A_13] : memref<200x128xi32, #tpu.memory_space<vmem>> -> memref<56x128xi32, #tpu.memory_space<vmem>>
    %dma_start3A_15 = arith.constant 56 : i32
    %dma_start3A_16 = tpu.memref_slice %arg2[%dma_start3A_15, %mul3A_2] : memref<200x4096xi32, #tpu.memory_space<hbm>> -> memref<56x128xi32, #tpu.memory_space<hbm>>
    %dma_start3A_17 = arith.constant 56 : i32
    %dma_start3A_18 = arith.constant 0 : i32
    %dma_start3A_19 = tpu.memref_slice %arg6[%dma_start3A_17, %dma_start3A_18] : memref<200x128xi32, #tpu.memory_space<vmem>> -> memref<56x128xi32, #tpu.memory_space<vmem>>
    %dma_start3A_20 = arith.constant 56 : i32
    %dma_start3A_21 = tpu.memref_slice %arg2[%dma_start3A_20, %mul3A_2] : memref<200x4096xi32, #tpu.memory_space<hbm>> -> memref<56x128xi32, #tpu.memory_space<hbm>>
    tpu.enqueue_dma source(%dma_start3A_21 : memref<56x128xi32, #tpu.memory_space<hbm>>) target(%dma_start3A_19 : memref<56x128xi32, #tpu.memory_space<vmem>>) target_semaphore(%arg9 : memref<!tpu.dma_semaphore, #tpu.memory_space<semaphore_mem>>)
    %dma_start3A_22 = arith.constant 112 : i32
    %dma_start3A_23 = arith.constant 0 : i32
    %dma_start3A_24 = tpu.memref_slice %arg6[%dma_start3A_22, %dma_start3A_23] : memref<200x128xi32, #tpu.memory_space<vmem>> -> memref<56x128xi32, #tpu.memory_space<vmem>>
    %dma_start3A_25 = arith.constant 112 : i32
    %dma_start3A_26 = tpu.memref_slice %arg2[%dma_start3A_25, %mul3A_2] : memref<200x4096xi32, #tpu.memory_space<hbm>> -> memref<56x128xi32, #tpu.memory_space<hbm>>
    %dma_start3A_27 = arith.constant 112 : i32
    %dma_start3A_28 = arith.constant 0 : i32
    %dma_start3A_29 = tpu.memref_slice %arg6[%dma_start3A_27, %dma_start3A_28] : memref<200x128xi32, #tpu.memory_space<vmem>> -> memref<56x128xi32, #tpu.memory_space<vmem>>
    %dma_start3A_30 = arith.constant 112 : i32
    %dma_start3A_31 = tpu.memref_slice %arg2[%dma_start3A_30, %mul3A_2] : memref<200x4096xi32, #tpu.memory_space<hbm>> -> memref<56x128xi32, #tpu.memory_space<hbm>>
    tpu.enqueue_dma source(%dma_start3A_31 : memref<56x128xi32, #tpu.memory_space<hbm>>) target(%dma_start3A_29 : memref<56x128xi32, #tpu.memory_space<vmem>>) target_semaphore(%arg10 : memref<!tpu.dma_semaphore, #tpu.memory_space<semaphore_mem>>)
    %dma_start3A_32 = arith.constant 168 : i32
    %dma_start3A_33 = arith.constant 0 : i32
    %dma_start3A_34 = tpu.memref_slice %arg6[%dma_start3A_32, %dma_start3A_33] : memref<200x128xi32, #tpu.memory_space<vmem>> -> memref<32x128xi32, #tpu.memory_space<vmem>>
    %dma_start3A_35 = arith.constant 168 : i32
    %dma_start3A_36 = tpu.memref_slice %arg2[%dma_start3A_35, %mul3A_2] : memref<200x4096xi32, #tpu.memory_space<hbm>> -> memref<32x128xi32, #tpu.memory_space<hbm>>
    %dma_start3A_37 = arith.constant 168 : i32
    %dma_start3A_38 = arith.constant 0 : i32
    %dma_start3A_39 = tpu.memref_slice %arg6[%dma_start3A_37, %dma_start3A_38] : memref<200x128xi32, #tpu.memory_space<vmem>> -> memref<32x128xi32, #tpu.memory_space<vmem>>
    %dma_start3A_40 = arith.constant 168 : i32
    %dma_start3A_41 = tpu.memref_slice %arg2[%dma_start3A_40, %mul3A_2] : memref<200x4096xi32, #tpu.memory_space<hbm>> -> memref<32x128xi32, #tpu.memory_space<hbm>>
    tpu.enqueue_dma source(%dma_start3A_41 : memref<32x128xi32, #tpu.memory_space<hbm>>) target(%dma_start3A_39 : memref<32x128xi32, #tpu.memory_space<vmem>>) target_semaphore(%arg11 : memref<!tpu.dma_semaphore, #tpu.memory_space<semaphore_mem>>)
    "tpu.region"() ({
      %run_scoped3A = tpu.sem_alloc : memref<!tpu.dma_semaphore, #tpu.memory_space<semaphore_mem>>
      tpu.enqueue_dma source(%arg3 : memref<128xi32, #tpu.memory_space<hbm>>) target(%arg5 : memref<128xi32, #tpu.memory_space<vmem>>) target_semaphore(%run_scoped3A : memref<!tpu.dma_semaphore, #tpu.memory_space<semaphore_mem>>)
      tpu.wait_dma2 semaphore(%run_scoped3A : memref<!tpu.dma_semaphore, #tpu.memory_space<semaphore_mem>>) src(%arg3 : memref<128xi32, #tpu.memory_space<hbm>>) dst(%arg5 : memref<128xi32, #tpu.memory_space<vmem>>)
      tpu.yield
    }) : () -> ()
    %dma_wait3A = arith.constant 0 : i32
    %dma_wait3A_42 = arith.constant 0 : i32
    %dma_wait3A_43 = tpu.memref_slice %arg6[%dma_wait3A, %dma_wait3A_42] : memref<200x128xi32, #tpu.memory_space<vmem>> -> memref<56x128xi32, #tpu.memory_space<vmem>>
    %dma_wait3A_44 = arith.constant 0 : i32
    %dma_wait3A_45 = tpu.memref_slice %arg2[%dma_wait3A_44, %mul3A_2] : memref<200x4096xi32, #tpu.memory_space<hbm>> -> memref<56x128xi32, #tpu.memory_space<hbm>>
    %dma_wait3A_46 = arith.constant 0 : i32
    %dma_wait3A_47 = arith.constant 0 : i32
    %dma_wait3A_48 = tpu.memref_slice %arg6[%dma_wait3A_46, %dma_wait3A_47] : memref<200x128xi32, #tpu.memory_space<vmem>> -> memref<56x128xi32, #tpu.memory_space<vmem>>
    %dma_wait3A_49 = arith.constant 0 : i32
    %dma_wait3A_50 = tpu.memref_slice %arg2[%dma_wait3A_49, %mul3A_2] : memref<200x4096xi32, #tpu.memory_space<hbm>> -> memref<56x128xi32, #tpu.memory_space<hbm>>
    tpu.wait_dma2 semaphore(%arg8 : memref<!tpu.dma_semaphore, #tpu.memory_space<semaphore_mem>>) src(%dma_wait3A_50 : memref<56x128xi32, #tpu.memory_space<hbm>>) dst(%dma_wait3A_48 : memref<56x128xi32, #tpu.memory_space<vmem>>)
    %parallel_loop3A = arith.constant 0 : i32
    %parallel_loop3A_51 = arith.constant 56 : i32
    %parallel_loop3A_52 = arith.constant 1 : i32
    scf.for %parallel_loop3A_172 = %parallel_loop3A to %parallel_loop3A_51 step %parallel_loop3A_52  : i32 {
      %parallel_loop3A_173 = arith.index_cast %parallel_loop3A_172 : i32 to index
      %parallel_loop3A_174 = arith.constant 0 : index
      %parallel_loop3A_175 = tpu.vector_load %arg6[%parallel_loop3A_173, %parallel_loop3A_174] {strides = array<i32>} : memref<200x128xi32, #tpu.memory_space<vmem>>, vector<16xi32>,
      %parallel_loop3A_176 = tpu.vector_load_idx %arg5[%parallel_loop3A_175] : memref<128xi32, #tpu.memory_space<vmem>>[vector<16xi32>], vector<16xi32>,
      %parallel_loop3A_177 = arith.index_cast %parallel_loop3A_172 : i32 to index
      %parallel_loop3A_178 = arith.constant 0 : index
      %parallel_loop3A_179 = tpu.vector_load %arg7[%parallel_loop3A_177, %parallel_loop3A_178] {strides = array<i32>} : memref<200x128xi32, #tpu.memory_space<vmem>>, vector<16xi32>,
      tpu.vector_store %arg7[%parallel_loop3A_177, %parallel_loop3A_178], %parallel_loop3A_176 {strides = array<i32>} : memref<200x128xi32, #tpu.memory_space<vmem>>, vector<16xi32>,
      %parallel_loop3A_180 = arith.index_cast %parallel_loop3A_172 : i32 to index
      %parallel_loop3A_181 = arith.constant 16 : index
      %parallel_loop3A_182 = tpu.vector_load %arg6[%parallel_loop3A_180, %parallel_loop3A_181] {strides = array<i32>} : memref<200x128xi32, #tpu.memory_space<vmem>>, vector<16xi32>,
      %parallel_loop3A_183 = tpu.vector_load_idx %arg5[%parallel_loop3A_182] : memref<128xi32, #tpu.memory_space<vmem>>[vector<16xi32>], vector<16xi32>,
      %parallel_loop3A_184 = arith.index_cast %parallel_loop3A_172 : i32 to index
      %parallel_loop3A_185 = arith.constant 16 : index
      %parallel_loop3A_186 = tpu.vector_load %arg7[%parallel_loop3A_184, %parallel_loop3A_185] {strides = array<i32>} : memref<200x128xi32, #tpu.memory_space<vmem>>, vector<16xi32>,
      tpu.vector_store %arg7[%parallel_loop3A_184, %parallel_loop3A_185], %parallel_loop3A_183 {strides = array<i32>} : memref<200x128xi32, #tpu.memory_space<vmem>>, vector<16xi32>,
      %parallel_loop3A_187 = arith.index_cast %parallel_loop3A_172 : i32 to index
      %parallel_loop3A_188 = arith.constant 32 : index
      %parallel_loop3A_189 = tpu.vector_load %arg6[%parallel_loop3A_187, %parallel_loop3A_188] {strides = array<i32>} : memref<200x128xi32, #tpu.memory_space<vmem>>, vector<16xi32>,
      %parallel_loop3A_190 = tpu.vector_load_idx %arg5[%parallel_loop3A_189] : memref<128xi32, #tpu.memory_space<vmem>>[vector<16xi32>], vector<16xi32>,
      %parallel_loop3A_191 = arith.index_cast %parallel_loop3A_172 : i32 to index
      %parallel_loop3A_192 = arith.constant 32 : index
      %parallel_loop3A_193 = tpu.vector_load %arg7[%parallel_loop3A_191, %parallel_loop3A_192] {strides = array<i32>} : memref<200x128xi32, #tpu.memory_space<vmem>>, vector<16xi32>,
      tpu.vector_store %arg7[%parallel_loop3A_191, %parallel_loop3A_192], %parallel_loop3A_190 {strides = array<i32>} : memref<200x128xi32, #tpu.memory_space<vmem>>, vector<16xi32>,
      %parallel_loop3A_194 = arith.index_cast %parallel_loop3A_172 : i32 to index
      %parallel_loop3A_195 = arith.constant 48 : index
      %parallel_loop3A_196 = tpu.vector_load %arg6[%parallel_loop3A_194, %parallel_loop3A_195] {strides = array<i32>} : memref<200x128xi32, #tpu.memory_space<vmem>>, vector<16xi32>,
      %parallel_loop3A_197 = tpu.vector_load_idx %arg5[%parallel_loop3A_196] : memref<128xi32, #tpu.memory_space<vmem>>[vector<16xi32>], vector<16xi32>,
      %parallel_loop3A_198 = arith.index_cast %parallel_loop3A_172 : i32 to index
      %parallel_loop3A_199 = arith.constant 48 : index
      %parallel_loop3A_200 = tpu.vector_load %arg7[%parallel_loop3A_198, %parallel_loop3A_199] {strides = array<i32>} : memref<200x128xi32, #tpu.memory_space<vmem>>, vector<16xi32>,
      tpu.vector_store %arg7[%parallel_loop3A_198, %parallel_loop3A_199], %parallel_loop3A_197 {strides = array<i32>} : memref<200x128xi32, #tpu.memory_space<vmem>>, vector<16xi32>,
      %parallel_loop3A_201 = arith.index_cast %parallel_loop3A_172 : i32 to index
      %parallel_loop3A_202 = arith.constant 64 : index
      %parallel_loop3A_203 = tpu.vector_load %arg6[%parallel_loop3A_201, %parallel_loop3A_202] {strides = array<i32>} : memref<200x128xi32, #tpu.memory_space<vmem>>, vector<16xi32>,
      %parallel_loop3A_204 = tpu.vector_load_idx %arg5[%parallel_loop3A_203] : memref<128xi32, #tpu.memory_space<vmem>>[vector<16xi32>], vector<16xi32>,
      %parallel_loop3A_205 = arith.index_cast %parallel_loop3A_172 : i32 to index
      %parallel_loop3A_206 = arith.constant 64 : index
      %parallel_loop3A_207 = tpu.vector_load %arg7[%parallel_loop3A_205, %parallel_loop3A_206] {strides = array<i32>} : memref<200x128xi32, #tpu.memory_space<vmem>>, vector<16xi32>,
      tpu.vector_store %arg7[%parallel_loop3A_205, %parallel_loop3A_206], %parallel_loop3A_204 {strides = array<i32>} : memref<200x128xi32, #tpu.memory_space<vmem>>, vector<16xi32>,
      %parallel_loop3A_208 = arith.index_cast %parallel_loop3A_172 : i32 to index
      %parallel_loop3A_209 = arith.constant 80 : index
      %parallel_loop3A_210 = tpu.vector_load %arg6[%parallel_loop3A_208, %parallel_loop3A_209] {strides = array<i32>} : memref<200x128xi32, #tpu.memory_space<vmem>>, vector<16xi32>,
      %parallel_loop3A_211 = tpu.vector_load_idx %arg5[%parallel_loop3A_210] : memref<128xi32, #tpu.memory_space<vmem>>[vector<16xi32>], vector<16xi32>,
      %parallel_loop3A_212 = arith.index_cast %parallel_loop3A_172 : i32 to index
      %parallel_loop3A_213 = arith.constant 80 : index
      %parallel_loop3A_214 = tpu.vector_load %arg7[%parallel_loop3A_212, %parallel_loop3A_213] {strides = array<i32>} : memref<200x128xi32, #tpu.memory_space<vmem>>, vector<16xi32>,
      tpu.vector_store %arg7[%parallel_loop3A_212, %parallel_loop3A_213], %parallel_loop3A_211 {strides = array<i32>} : memref<200x128xi32, #tpu.memory_space<vmem>>, vector<16xi32>,
      %parallel_loop3A_215 = arith.index_cast %parallel_loop3A_172 : i32 to index
      %parallel_loop3A_216 = arith.constant 96 : index
      %parallel_loop3A_217 = tpu.vector_load %arg6[%parallel_loop3A_215, %parallel_loop3A_216] {strides = array<i32>} : memref<200x128xi32, #tpu.memory_space<vmem>>, vector<16xi32>,
      %parallel_loop3A_218 = tpu.vector_load_idx %arg5[%parallel_loop3A_217] : memref<128xi32, #tpu.memory_space<vmem>>[vector<16xi32>], vector<16xi32>,
      %parallel_loop3A_219 = arith.index_cast %parallel_loop3A_172 : i32 to index
      %parallel_loop3A_220 = arith.constant 96 : index
      %parallel_loop3A_221 = tpu.vector_load %arg7[%parallel_loop3A_219, %parallel_loop3A_220] {strides = array<i32>} : memref<200x128xi32, #tpu.memory_space<vmem>>, vector<16xi32>,
      tpu.vector_store %arg7[%parallel_loop3A_219, %parallel_loop3A_220], %parallel_loop3A_218 {strides = array<i32>} : memref<200x128xi32, #tpu.memory_space<vmem>>, vector<16xi32>,
      %parallel_loop3A_222 = arith.index_cast %parallel_loop3A_172 : i32 to index
      %parallel_loop3A_223 = arith.constant 112 : index
      %parallel_loop3A_224 = tpu.vector_load %arg6[%parallel_loop3A_222, %parallel_loop3A_223] {strides = array<i32>} : memref<200x128xi32, #tpu.memory_space<vmem>>, vector<16xi32>,
      %parallel_loop3A_225 = tpu.vector_load_idx %arg5[%parallel_loop3A_224] : memref<128xi32, #tpu.memory_space<vmem>>[vector<16xi32>], vector<16xi32>,
      %parallel_loop3A_226 = arith.index_cast %parallel_loop3A_172 : i32 to index
      %parallel_loop3A_227 = arith.constant 112 : index
      %parallel_loop3A_228 = tpu.vector_load %arg7[%parallel_loop3A_226, %parallel_loop3A_227] {strides = array<i32>} : memref<200x128xi32, #tpu.memory_space<vmem>>, vector<16xi32>,
      tpu.vector_store %arg7[%parallel_loop3A_226, %parallel_loop3A_227], %parallel_loop3A_225 {strides = array<i32>} : memref<200x128xi32, #tpu.memory_space<vmem>>, vector<16xi32>,
    } {sc.loop_unroll_factor = 4 : i64, sc.parallel_access}
    %dma_start3A_53 = arith.constant 0 : i32
    %dma_start3A_54 = arith.constant 0 : i32
    %dma_start3A_55 = tpu.memref_slice %arg7[%dma_start3A_53, %dma_start3A_54] : memref<200x128xi32, #tpu.memory_space<vmem>> -> memref<56x128xi32, #tpu.memory_space<vmem>>
    %dma_start3A_56 = arith.constant 0 : i32
    %dma_start3A_57 = tpu.memref_slice %arg4[%dma_start3A_56, %mul3A_2] : memref<200x4096xi32, #tpu.memory_space<hbm>> -> memref<56x128xi32, #tpu.memory_space<hbm>>
    %dma_start3A_58 = arith.constant 0 : i32
    %dma_start3A_59 = tpu.memref_slice %arg4[%dma_start3A_58, %mul3A_2] : memref<200x4096xi32, #tpu.memory_space<hbm>> -> memref<56x128xi32, #tpu.memory_space<hbm>>
    %dma_start3A_60 = arith.constant 0 : i32
    %dma_start3A_61 = arith.constant 0 : i32
    %dma_start3A_62 = tpu.memref_slice %arg7[%dma_start3A_60, %dma_start3A_61] : memref<200x128xi32, #tpu.memory_space<vmem>> -> memref<56x128xi32, #tpu.memory_space<vmem>>
    tpu.enqueue_dma source(%dma_start3A_62 : memref<56x128xi32, #tpu.memory_space<vmem>>) target(%dma_start3A_59 : memref<56x128xi32, #tpu.memory_space<hbm>>) target_semaphore(%arg12 : memref<!tpu.dma_semaphore, #tpu.memory_space<semaphore_mem>>)
    %dma_wait3A_63 = arith.constant 56 : i32
    %dma_wait3A_64 = arith.constant 0 : i32
    %dma_wait3A_65 = tpu.memref_slice %arg6[%dma_wait3A_63, %dma_wait3A_64] : memref<200x128xi32, #tpu.memory_space<vmem>> -> memref<56x128xi32, #tpu.memory_space<vmem>>
    %dma_wait3A_66 = arith.constant 56 : i32
    %dma_wait3A_67 = tpu.memref_slice %arg2[%dma_wait3A_66, %mul3A_2] : memref<200x4096xi32, #tpu.memory_space<hbm>> -> memref<56x128xi32, #tpu.memory_space<hbm>>
    %dma_wait3A_68 = arith.constant 56 : i32
    %dma_wait3A_69 = arith.constant 0 : i32
    %dma_wait3A_70 = tpu.memref_slice %arg6[%dma_wait3A_68, %dma_wait3A_69] : memref<200x128xi32, #tpu.memory_space<vmem>> -> memref<56x128xi32, #tpu.memory_space<vmem>>
    %dma_wait3A_71 = arith.constant 56 : i32
    %dma_wait3A_72 = tpu.memref_slice %arg2[%dma_wait3A_71, %mul3A_2] : memref<200x4096xi32, #tpu.memory_space<hbm>> -> memref<56x128xi32, #tpu.memory_space<hbm>>
    tpu.wait_dma2 semaphore(%arg9 : memref<!tpu.dma_semaphore, #tpu.memory_space<semaphore_mem>>) src(%dma_wait3A_72 : memref<56x128xi32, #tpu.memory_space<hbm>>) dst(%dma_wait3A_70 : memref<56x128xi32, #tpu.memory_space<vmem>>)
    %parallel_loop3A_73 = arith.constant 56 : i32
    %parallel_loop3A_74 = arith.constant 112 : i32
    %parallel_loop3A_75 = arith.constant 1 : i32
    scf.for %parallel_loop3A_172 = %parallel_loop3A_73 to %parallel_loop3A_74 step %parallel_loop3A_75  : i32 {
      %parallel_loop3A_173 = arith.index_cast %parallel_loop3A_172 : i32 to index
      %parallel_loop3A_174 = arith.constant 0 : index
      %parallel_loop3A_175 = tpu.vector_load %arg6[%parallel_loop3A_173, %parallel_loop3A_174] {strides = array<i32>} : memref<200x128xi32, #tpu.memory_space<vmem>>, vector<16xi32>,
      %parallel_loop3A_176 = tpu.vector_load_idx %arg5[%parallel_loop3A_175] : memref<128xi32, #tpu.memory_space<vmem>>[vector<16xi32>], vector<16xi32>,
      %parallel_loop3A_177 = arith.index_cast %parallel_loop3A_172 : i32 to index
      %parallel_loop3A_178 = arith.constant 0 : index
      %parallel_loop3A_179 = tpu.vector_load %arg7[%parallel_loop3A_177, %parallel_loop3A_178] {strides = array<i32>} : memref<200x128xi32, #tpu.memory_space<vmem>>, vector<16xi32>,
      tpu.vector_store %arg7[%parallel_loop3A_177, %parallel_loop3A_178], %parallel_loop3A_176 {strides = array<i32>} : memref<200x128xi32, #tpu.memory_space<vmem>>, vector<16xi32>,
      %parallel_loop3A_180 = arith.index_cast %parallel_loop3A_172 : i32 to index
      %parallel_loop3A_181 = arith.constant 16 : index
      %parallel_loop3A_182 = tpu.vector_load %arg6[%parallel_loop3A_180, %parallel_loop3A_181] {strides = array<i32>} : memref<200x128xi32, #tpu.memory_space<vmem>>, vector<16xi32>,
      %parallel_loop3A_183 = tpu.vector_load_idx %arg5[%parallel_loop3A_182] : memref<128xi32, #tpu.memory_space<vmem>>[vector<16xi32>], vector<16xi32>,
      %parallel_loop3A_184 = arith.index_cast %parallel_loop3A_172 : i32 to index
      %parallel_loop3A_185 = arith.constant 16 : index
      %parallel_loop3A_186 = tpu.vector_load %arg7[%parallel_loop3A_184, %parallel_loop3A_185] {strides = array<i32>} : memref<200x128xi32, #tpu.memory_space<vmem>>, vector<16xi32>,
      tpu.vector_store %arg7[%parallel_loop3A_184, %parallel_loop3A_185], %parallel_loop3A_183 {strides = array<i32>} : memref<200x128xi32, #tpu.memory_space<vmem>>, vector<16xi32>,
      %parallel_loop3A_187 = arith.index_cast %parallel_loop3A_172 : i32 to index
      %parallel_loop3A_188 = arith.constant 32 : index
      %parallel_loop3A_189 = tpu.vector_load %arg6[%parallel_loop3A_187, %parallel_loop3A_188] {strides = array<i32>} : memref<200x128xi32, #tpu.memory_space<vmem>>, vector<16xi32>,
      %parallel_loop3A_190 = tpu.vector_load_idx %arg5[%parallel_loop3A_189] : memref<128xi32, #tpu.memory_space<vmem>>[vector<16xi32>], vector<16xi32>,
      %parallel_loop3A_191 = arith.index_cast %parallel_loop3A_172 : i32 to index
      %parallel_loop3A_192 = arith.constant 32 : index
      %parallel_loop3A_193 = tpu.vector_load %arg7[%parallel_loop3A_191, %parallel_loop3A_192] {strides = array<i32>} : memref<200x128xi32, #tpu.memory_space<vmem>>, vector<16xi32>,
      tpu.vector_store %arg7[%parallel_loop3A_191, %parallel_loop3A_192], %parallel_loop3A_190 {strides = array<i32>} : memref<200x128xi32, #tpu.memory_space<vmem>>, vector<16xi32>,
      %parallel_loop3A_194 = arith.index_cast %parallel_loop3A_172 : i32 to index
      %parallel_loop3A_195 = arith.constant 48 : index
      %parallel_loop3A_196 = tpu.vector_load %arg6[%parallel_loop3A_194, %parallel_loop3A_195] {strides = array<i32>} : memref<200x128xi32, #tpu.memory_space<vmem>>, vector<16xi32>,
      %parallel_loop3A_197 = tpu.vector_load_idx %arg5[%parallel_loop3A_196] : memref<128xi32, #tpu.memory_space<vmem>>[vector<16xi32>], vector<16xi32>,
      %parallel_loop3A_198 = arith.index_cast %parallel_loop3A_172 : i32 to index
      %parallel_loop3A_199 = arith.constant 48 : index
      %parallel_loop3A_200 = tpu.vector_load %arg7[%parallel_loop3A_198, %parallel_loop3A_199] {strides = array<i32>} : memref<200x128xi32, #tpu.memory_space<vmem>>, vector<16xi32>,
      tpu.vector_store %arg7[%parallel_loop3A_198, %parallel_loop3A_199], %parallel_loop3A_197 {strides = array<i32>} : memref<200x128xi32, #tpu.memory_space<vmem>>, vector<16xi32>,
      %parallel_loop3A_201 = arith.index_cast %parallel_loop3A_172 : i32 to index
      %parallel_loop3A_202 = arith.constant 64 : index
      %parallel_loop3A_203 = tpu.vector_load %arg6[%parallel_loop3A_201, %parallel_loop3A_202] {strides = array<i32>} : memref<200x128xi32, #tpu.memory_space<vmem>>, vector<16xi32>,
      %parallel_loop3A_204 = tpu.vector_load_idx %arg5[%parallel_loop3A_203] : memref<128xi32, #tpu.memory_space<vmem>>[vector<16xi32>], vector<16xi32>,
      %parallel_loop3A_205 = arith.index_cast %parallel_loop3A_172 : i32 to index
      %parallel_loop3A_206 = arith.constant 64 : index
      %parallel_loop3A_207 = tpu.vector_load %arg7[%parallel_loop3A_205, %parallel_loop3A_206] {strides = array<i32>} : memref<200x128xi32, #tpu.memory_space<vmem>>, vector<16xi32>,
      tpu.vector_store %arg7[%parallel_loop3A_205, %parallel_loop3A_206], %parallel_loop3A_204 {strides = array<i32>} : memref<200x128xi32, #tpu.memory_space<vmem>>, vector<16xi32>,
      %parallel_loop3A_208 = arith.index_cast %parallel_loop3A_172 : i32 to index
      %parallel_loop3A_209 = arith.constant 80 : index
      %parallel_loop3A_210 = tpu.vector_load %arg6[%parallel_loop3A_208, %parallel_loop3A_209] {strides = array<i32>} : memref<200x128xi32, #tpu.memory_space<vmem>>, vector<16xi32>,
      %parallel_loop3A_211 = tpu.vector_load_idx %arg5[%parallel_loop3A_210] : memref<128xi32, #tpu.memory_space<vmem>>[vector<16xi32>], vector<16xi32>,
      %parallel_loop3A_212 = arith.index_cast %parallel_loop3A_172 : i32 to index
      %parallel_loop3A_213 = arith.constant 80 : index
      %parallel_loop3A_214 = tpu.vector_load %arg7[%parallel_loop3A_212, %parallel_loop3A_213] {strides = array<i32>} : memref<200x128xi32, #tpu.memory_space<vmem>>, vector<16xi32>,
      tpu.vector_store %arg7[%parallel_loop3A_212, %parallel_loop3A_213], %parallel_loop3A_211 {strides = array<i32>} : memref<200x128xi32, #tpu.memory_space<vmem>>, vector<16xi32>,
      %parallel_loop3A_215 = arith.index_cast %parallel_loop3A_172 : i32 to index
      %parallel_loop3A_216 = arith.constant 96 : index
      %parallel_loop3A_217 = tpu.vector_load %arg6[%parallel_loop3A_215, %parallel_loop3A_216] {strides = array<i32>} : memref<200x128xi32, #tpu.memory_space<vmem>>, vector<16xi32>,
      %parallel_loop3A_218 = tpu.vector_load_idx %arg5[%parallel_loop3A_217] : memref<128xi32, #tpu.memory_space<vmem>>[vector<16xi32>], vector<16xi32>,
      %parallel_loop3A_219 = arith.index_cast %parallel_loop3A_172 : i32 to index
      %parallel_loop3A_220 = arith.constant 96 : index
      %parallel_loop3A_221 = tpu.vector_load %arg7[%parallel_loop3A_219, %parallel_loop3A_220] {strides = array<i32>} : memref<200x128xi32, #tpu.memory_space<vmem>>, vector<16xi32>,
      tpu.vector_store %arg7[%parallel_loop3A_219, %parallel_loop3A_220], %parallel_loop3A_218 {strides = array<i32>} : memref<200x128xi32, #tpu.memory_space<vmem>>, vector<16xi32>,
      %parallel_loop3A_222 = arith.index_cast %parallel_loop3A_172 : i32 to index
      %parallel_loop3A_223 = arith.constant 112 : index
      %parallel_loop3A_224 = tpu.vector_load %arg6[%parallel_loop3A_222, %parallel_loop3A_223] {strides = array<i32>} : memref<200x128xi32, #tpu.memory_space<vmem>>, vector<16xi32>,
      %parallel_loop3A_225 = tpu.vector_load_idx %arg5[%parallel_loop3A_224] : memref<128xi32, #tpu.memory_space<vmem>>[vector<16xi32>], vector<16xi32>,
      %parallel_loop3A_226 = arith.index_cast %parallel_loop3A_172 : i32 to index
      %parallel_loop3A_227 = arith.constant 112 : index
      %parallel_loop3A_228 = tpu.vector_load %arg7[%parallel_loop3A_226, %parallel_loop3A_227] {strides = array<i32>} : memref<200x128xi32, #tpu.memory_space<vmem>>, vector<16xi32>,
      tpu.vector_store %arg7[%parallel_loop3A_226, %parallel_loop3A_227], %parallel_loop3A_225 {strides = array<i32>} : memref<200x128xi32, #tpu.memory_space<vmem>>, vector<16xi32>,
    } {sc.loop_unroll_factor = 4 : i64, sc.parallel_access}
    %dma_start3A_76 = arith.constant 56 : i32
    %dma_start3A_77 = arith.constant 0 : i32
    %dma_start3A_78 = tpu.memref_slice %arg7[%dma_start3A_76, %dma_start3A_77] : memref<200x128xi32, #tpu.memory_space<vmem>> -> memref<56x128xi32, #tpu.memory_space<vmem>>
    %dma_start3A_79 = arith.constant 56 : i32
    %dma_start3A_80 = tpu.memref_slice %arg4[%dma_start3A_79, %mul3A_2] : memref<200x4096xi32, #tpu.memory_space<hbm>> -> memref<56x128xi32, #tpu.memory_space<hbm>>
    %dma_start3A_81 = arith.constant 56 : i32
    %dma_start3A_82 = tpu.memref_slice %arg4[%dma_start3A_81, %mul3A_2] : memref<200x4096xi32, #tpu.memory_space<hbm>> -> memref<56x128xi32, #tpu.memory_space<hbm>>
    %dma_start3A_83 = arith.constant 56 : i32
    %dma_start3A_84 = arith.constant 0 : i32
    %dma_start3A_85 = tpu.memref_slice %arg7[%dma_start3A_83, %dma_start3A_84] : memref<200x128xi32, #tpu.memory_space<vmem>> -> memref<56x128xi32, #tpu.memory_space<vmem>>
    tpu.enqueue_dma source(%dma_start3A_85 : memref<56x128xi32, #tpu.memory_space<vmem>>) target(%dma_start3A_82 : memref<56x128xi32, #tpu.memory_space<hbm>>) target_semaphore(%arg12 : memref<!tpu.dma_semaphore, #tpu.memory_space<semaphore_mem>>)
    %dma_wait3A_86 = arith.constant 112 : i32
    %dma_wait3A_87 = arith.constant 0 : i32
    %dma_wait3A_88 = tpu.memref_slice %arg6[%dma_wait3A_86, %dma_wait3A_87] : memref<200x128xi32, #tpu.memory_space<vmem>> -> memref<56x128xi32, #tpu.memory_space<vmem>>
    %dma_wait3A_89 = arith.constant 112 : i32
    %dma_wait3A_90 = tpu.memref_slice %arg2[%dma_wait3A_89, %mul3A_2] : memref<200x4096xi32, #tpu.memory_space<hbm>> -> memref<56x128xi32, #tpu.memory_space<hbm>>
    %dma_wait3A_91 = arith.constant 112 : i32
    %dma_wait3A_92 = arith.constant 0 : i32
    %dma_wait3A_93 = tpu.memref_slice %arg6[%dma_wait3A_91, %dma_wait3A_92] : memref<200x128xi32, #tpu.memory_space<vmem>> -> memref<56x128xi32, #tpu.memory_space<vmem>>
    %dma_wait3A_94 = arith.constant 112 : i32
    %dma_wait3A_95 = tpu.memref_slice %arg2[%dma_wait3A_94, %mul3A_2] : memref<200x4096xi32, #tpu.memory_space<hbm>> -> memref<56x128xi32, #tpu.memory_space<hbm>>
    tpu.wait_dma2 semaphore(%arg10 : memref<!tpu.dma_semaphore, #tpu.memory_space<semaphore_mem>>) src(%dma_wait3A_95 : memref<56x128xi32, #tpu.memory_space<hbm>>) dst(%dma_wait3A_93 : memref<56x128xi32, #tpu.memory_space<vmem>>)
    %parallel_loop3A_96 = arith.constant 112 : i32
    %parallel_loop3A_97 = arith.constant 168 : i32
    %parallel_loop3A_98 = arith.constant 1 : i32
    scf.for %parallel_loop3A_172 = %parallel_loop3A_96 to %parallel_loop3A_97 step %parallel_loop3A_98  : i32 {
      %parallel_loop3A_173 = arith.index_cast %parallel_loop3A_172 : i32 to index
      %parallel_loop3A_174 = arith.constant 0 : index
      %parallel_loop3A_175 = tpu.vector_load %arg6[%parallel_loop3A_173, %parallel_loop3A_174] {strides = array<i32>} : memref<200x128xi32, #tpu.memory_space<vmem>>, vector<16xi32>,
      %parallel_loop3A_176 = tpu.vector_load_idx %arg5[%parallel_loop3A_175] : memref<128xi32, #tpu.memory_space<vmem>>[vector<16xi32>], vector<16xi32>,
      %parallel_loop3A_177 = arith.index_cast %parallel_loop3A_172 : i32 to index
      %parallel_loop3A_178 = arith.constant 0 : index
      %parallel_loop3A_179 = tpu.vector_load %arg7[%parallel_loop3A_177, %parallel_loop3A_178] {strides = array<i32>} : memref<200x128xi32, #tpu.memory_space<vmem>>, vector<16xi32>,
      tpu.vector_store %arg7[%parallel_loop3A_177, %parallel_loop3A_178], %parallel_loop3A_176 {strides = array<i32>} : memref<200x128xi32, #tpu.memory_space<vmem>>, vector<16xi32>,
      %parallel_loop3A_180 = arith.index_cast %parallel_loop3A_172 : i32 to index
      %parallel_loop3A_181 = arith.constant 16 : index
      %parallel_loop3A_182 = tpu.vector_load %arg6[%parallel_loop3A_180, %parallel_loop3A_181] {strides = array<i32>} : memref<200x128xi32, #tpu.memory_space<vmem>>, vector<16xi32>,
      %parallel_loop3A_183 = tpu.vector_load_idx %arg5[%parallel_loop3A_182] : memref<128xi32, #tpu.memory_space<vmem>>[vector<16xi32>], vector<16xi32>,
      %parallel_loop3A_184 = arith.index_cast %parallel_loop3A_172 : i32 to index
      %parallel_loop3A_185 = arith.constant 16 : index
      %parallel_loop3A_186 = tpu.vector_load %arg7[%parallel_loop3A_184, %parallel_loop3A_185] {strides = array<i32>} : memref<200x128xi32, #tpu.memory_space<vmem>>, vector<16xi32>,
      tpu.vector_store %arg7[%parallel_loop3A_184, %parallel_loop3A_185], %parallel_loop3A_183 {strides = array<i32>} : memref<200x128xi32, #tpu.memory_space<vmem>>, vector<16xi32>,
      %parallel_loop3A_187 = arith.index_cast %parallel_loop3A_172 : i32 to index
      %parallel_loop3A_188 = arith.constant 32 : index
      %parallel_loop3A_189 = tpu.vector_load %arg6[%parallel_loop3A_187, %parallel_loop3A_188] {strides = array<i32>} : memref<200x128xi32, #tpu.memory_space<vmem>>, vector<16xi32>,
      %parallel_loop3A_190 = tpu.vector_load_idx %arg5[%parallel_loop3A_189] : memref<128xi32, #tpu.memory_space<vmem>>[vector<16xi32>], vector<16xi32>,
      %parallel_loop3A_191 = arith.index_cast %parallel_loop3A_172 : i32 to index
      %parallel_loop3A_192 = arith.constant 32 : index
      %parallel_loop3A_193 = tpu.vector_load %arg7[%parallel_loop3A_191, %parallel_loop3A_192] {strides = array<i32>} : memref<200x128xi32, #tpu.memory_space<vmem>>, vector<16xi32>,
      tpu.vector_store %arg7[%parallel_loop3A_191, %parallel_loop3A_192], %parallel_loop3A_190 {strides = array<i32>} : memref<200x128xi32, #tpu.memory_space<vmem>>, vector<16xi32>,
      %parallel_loop3A_194 = arith.index_cast %parallel_loop3A_172 : i32 to index
      %parallel_loop3A_195 = arith.constant 48 : index
      %parallel_loop3A_196 = tpu.vector_load %arg6[%parallel_loop3A_194, %parallel_loop3A_195] {strides = array<i32>} : memref<200x128xi32, #tpu.memory_space<vmem>>, vector<16xi32>,
      %parallel_loop3A_197 = tpu.vector_load_idx %arg5[%parallel_loop3A_196] : memref<128xi32, #tpu.memory_space<vmem>>[vector<16xi32>], vector<16xi32>,
      %parallel_loop3A_198 = arith.index_cast %parallel_loop3A_172 : i32 to index
      %parallel_loop3A_199 = arith.constant 48 : index
      %parallel_loop3A_200 = tpu.vector_load %arg7[%parallel_loop3A_198, %parallel_loop3A_199] {strides = array<i32>} : memref<200x128xi32, #tpu.memory_space<vmem>>, vector<16xi32>,
      tpu.vector_store %arg7[%parallel_loop3A_198, %parallel_loop3A_199], %parallel_loop3A_197 {strides = array<i32>} : memref<200x128xi32, #tpu.memory_space<vmem>>, vector<16xi32>,
      %parallel_loop3A_201 = arith.index_cast %parallel_loop3A_172 : i32 to index
      %parallel_loop3A_202 = arith.constant 64 : index
      %parallel_loop3A_203 = tpu.vector_load %arg6[%parallel_loop3A_201, %parallel_loop3A_202] {strides = array<i32>} : memref<200x128xi32, #tpu.memory_space<vmem>>, vector<16xi32>,
      %parallel_loop3A_204 = tpu.vector_load_idx %arg5[%parallel_loop3A_203] : memref<128xi32, #tpu.memory_space<vmem>>[vector<16xi32>], vector<16xi32>,
      %parallel_loop3A_205 = arith.index_cast %parallel_loop3A_172 : i32 to index
      %parallel_loop3A_206 = arith.constant 64 : index
      %parallel_loop3A_207 = tpu.vector_load %arg7[%parallel_loop3A_205, %parallel_loop3A_206] {strides = array<i32>} : memref<200x128xi32, #tpu.memory_space<vmem>>, vector<16xi32>,
      tpu.vector_store %arg7[%parallel_loop3A_205, %parallel_loop3A_206], %parallel_loop3A_204 {strides = array<i32>} : memref<200x128xi32, #tpu.memory_space<vmem>>, vector<16xi32>,
      %parallel_loop3A_208 = arith.index_cast %parallel_loop3A_172 : i32 to index
      %parallel_loop3A_209 = arith.constant 80 : index
      %parallel_loop3A_210 = tpu.vector_load %arg6[%parallel_loop3A_208, %parallel_loop3A_209] {strides = array<i32>} : memref<200x128xi32, #tpu.memory_space<vmem>>, vector<16xi32>,
      %parallel_loop3A_211 = tpu.vector_load_idx %arg5[%parallel_loop3A_210] : memref<128xi32, #tpu.memory_space<vmem>>[vector<16xi32>], vector<16xi32>,
      %parallel_loop3A_212 = arith.index_cast %parallel_loop3A_172 : i32 to index
      %parallel_loop3A_213 = arith.constant 80 : index
      %parallel_loop3A_214 = tpu.vector_load %arg7[%parallel_loop3A_212, %parallel_loop3A_213] {strides = array<i32>} : memref<200x128xi32, #tpu.memory_space<vmem>>, vector<16xi32>,
      tpu.vector_store %arg7[%parallel_loop3A_212, %parallel_loop3A_213], %parallel_loop3A_211 {strides = array<i32>} : memref<200x128xi32, #tpu.memory_space<vmem>>, vector<16xi32>,
      %parallel_loop3A_215 = arith.index_cast %parallel_loop3A_172 : i32 to index
      %parallel_loop3A_216 = arith.constant 96 : index
      %parallel_loop3A_217 = tpu.vector_load %arg6[%parallel_loop3A_215, %parallel_loop3A_216] {strides = array<i32>} : memref<200x128xi32, #tpu.memory_space<vmem>>, vector<16xi32>,
      %parallel_loop3A_218 = tpu.vector_load_idx %arg5[%parallel_loop3A_217] : memref<128xi32, #tpu.memory_space<vmem>>[vector<16xi32>], vector<16xi32>,
      %parallel_loop3A_219 = arith.index_cast %parallel_loop3A_172 : i32 to index
      %parallel_loop3A_220 = arith.constant 96 : index
      %parallel_loop3A_221 = tpu.vector_load %arg7[%parallel_loop3A_219, %parallel_loop3A_220] {strides = array<i32>} : memref<200x128xi32, #tpu.memory_space<vmem>>, vector<16xi32>,
      tpu.vector_store %arg7[%parallel_loop3A_219, %parallel_loop3A_220], %parallel_loop3A_218 {strides = array<i32>} : memref<200x128xi32, #tpu.memory_space<vmem>>, vector<16xi32>,
      %parallel_loop3A_222 = arith.index_cast %parallel_loop3A_172 : i32 to index
      %parallel_loop3A_223 = arith.constant 112 : index
      %parallel_loop3A_224 = tpu.vector_load %arg6[%parallel_loop3A_222, %parallel_loop3A_223] {strides = array<i32>} : memref<200x128xi32, #tpu.memory_space<vmem>>, vector<16xi32>,
      %parallel_loop3A_225 = tpu.vector_load_idx %arg5[%parallel_loop3A_224] : memref<128xi32, #tpu.memory_space<vmem>>[vector<16xi32>], vector<16xi32>,
      %parallel_loop3A_226 = arith.index_cast %parallel_loop3A_172 : i32 to index
      %parallel_loop3A_227 = arith.constant 112 : index
      %parallel_loop3A_228 = tpu.vector_load %arg7[%parallel_loop3A_226, %parallel_loop3A_227] {strides = array<i32>} : memref<200x128xi32, #tpu.memory_space<vmem>>, vector<16xi32>,
      tpu.vector_store %arg7[%parallel_loop3A_226, %parallel_loop3A_227], %parallel_loop3A_225 {strides = array<i32>} : memref<200x128xi32, #tpu.memory_space<vmem>>, vector<16xi32>,
    } {sc.loop_unroll_factor = 4 : i64, sc.parallel_access}
    %dma_start3A_99 = arith.constant 112 : i32
    %dma_start3A_100 = arith.constant 0 : i32
    %dma_start3A_101 = tpu.memref_slice %arg7[%dma_start3A_99, %dma_start3A_100] : memref<200x128xi32, #tpu.memory_space<vmem>> -> memref<56x128xi32, #tpu.memory_space<vmem>>
    %dma_start3A_102 = arith.constant 112 : i32
    %dma_start3A_103 = tpu.memref_slice %arg4[%dma_start3A_102, %mul3A_2] : memref<200x4096xi32, #tpu.memory_space<hbm>> -> memref<56x128xi32, #tpu.memory_space<hbm>>
    %dma_start3A_104 = arith.constant 112 : i32
    %dma_start3A_105 = tpu.memref_slice %arg4[%dma_start3A_104, %mul3A_2] : memref<200x4096xi32, #tpu.memory_space<hbm>> -> memref<56x128xi32, #tpu.memory_space<hbm>>
    %dma_start3A_106 = arith.constant 112 : i32
    %dma_start3A_107 = arith.constant 0 : i32
    %dma_start3A_108 = tpu.memref_slice %arg7[%dma_start3A_106, %dma_start3A_107] : memref<200x128xi32, #tpu.memory_space<vmem>> -> memref<56x128xi32, #tpu.memory_space<vmem>>
    tpu.enqueue_dma source(%dma_start3A_108 : memref<56x128xi32, #tpu.memory_space<vmem>>) target(%dma_start3A_105 : memref<56x128xi32, #tpu.memory_space<hbm>>) target_semaphore(%arg12 : memref<!tpu.dma_semaphore, #tpu.memory_space<semaphore_mem>>)
    %dma_wait3A_109 = arith.constant 168 : i32
    %dma_wait3A_110 = arith.constant 0 : i32
    %dma_wait3A_111 = tpu.memref_slice %arg6[%dma_wait3A_109, %dma_wait3A_110] : memref<200x128xi32, #tpu.memory_space<vmem>> -> memref<32x128xi32, #tpu.memory_space<vmem>>
    %dma_wait3A_112 = arith.constant 168 : i32
    %dma_wait3A_113 = tpu.memref_slice %arg2[%dma_wait3A_112, %mul3A_2] : memref<200x4096xi32, #tpu.memory_space<hbm>> -> memref<32x128xi32, #tpu.memory_space<hbm>>
    %dma_wait3A_114 = arith.constant 168 : i32
    %dma_wait3A_115 = arith.constant 0 : i32
    %dma_wait3A_116 = tpu.memref_slice %arg6[%dma_wait3A_114, %dma_wait3A_115] : memref<200x128xi32, #tpu.memory_space<vmem>> -> memref<32x128xi32, #tpu.memory_space<vmem>>
    %dma_wait3A_117 = arith.constant 168 : i32
    %dma_wait3A_118 = tpu.memref_slice %arg2[%dma_wait3A_117, %mul3A_2] : memref<200x4096xi32, #tpu.memory_space<hbm>> -> memref<32x128xi32, #tpu.memory_space<hbm>>
    tpu.wait_dma2 semaphore(%arg11 : memref<!tpu.dma_semaphore, #tpu.memory_space<semaphore_mem>>) src(%dma_wait3A_118 : memref<32x128xi32, #tpu.memory_space<hbm>>) dst(%dma_wait3A_116 : memref<32x128xi32, #tpu.memory_space<vmem>>)
    %parallel_loop3A_119 = arith.constant 168 : i32
    %parallel_loop3A_120 = arith.constant 200 : i32
    %parallel_loop3A_121 = arith.constant 1 : i32
    scf.for %parallel_loop3A_172 = %parallel_loop3A_119 to %parallel_loop3A_120 step %parallel_loop3A_121  : i32 {
      %parallel_loop3A_173 = arith.index_cast %parallel_loop3A_172 : i32 to index
      %parallel_loop3A_174 = arith.constant 0 : index
      %parallel_loop3A_175 = tpu.vector_load %arg6[%parallel_loop3A_173, %parallel_loop3A_174] {strides = array<i32>} : memref<200x128xi32, #tpu.memory_space<vmem>>, vector<16xi32>,
      %parallel_loop3A_176 = tpu.vector_load_idx %arg5[%parallel_loop3A_175] : memref<128xi32, #tpu.memory_space<vmem>>[vector<16xi32>], vector<16xi32>,
      %parallel_loop3A_177 = arith.index_cast %parallel_loop3A_172 : i32 to index
      %parallel_loop3A_178 = arith.constant 0 : index
      %parallel_loop3A_179 = tpu.vector_load %arg7[%parallel_loop3A_177, %parallel_loop3A_178] {strides = array<i32>} : memref<200x128xi32, #tpu.memory_space<vmem>>, vector<16xi32>,
      tpu.vector_store %arg7[%parallel_loop3A_177, %parallel_loop3A_178], %parallel_loop3A_176 {strides = array<i32>} : memref<200x128xi32, #tpu.memory_space<vmem>>, vector<16xi32>,
      %parallel_loop3A_180 = arith.index_cast %parallel_loop3A_172 : i32 to index
      %parallel_loop3A_181 = arith.constant 16 : index
      %parallel_loop3A_182 = tpu.vector_load %arg6[%parallel_loop3A_180, %parallel_loop3A_181] {strides = array<i32>} : memref<200x128xi32, #tpu.memory_space<vmem>>, vector<16xi32>,
      %parallel_loop3A_183 = tpu.vector_load_idx %arg5[%parallel_loop3A_182] : memref<128xi32, #tpu.memory_space<vmem>>[vector<16xi32>], vector<16xi32>,
      %parallel_loop3A_184 = arith.index_cast %parallel_loop3A_172 : i32 to index
      %parallel_loop3A_185 = arith.constant 16 : index
      %parallel_loop3A_186 = tpu.vector_load %arg7[%parallel_loop3A_184, %parallel_loop3A_185] {strides = array<i32>} : memref<200x128xi32, #tpu.memory_space<vmem>>, vector<16xi32>,
      tpu.vector_store %arg7[%parallel_loop3A_184, %parallel_loop3A_185], %parallel_loop3A_183 {strides = array<i32>} : memref<200x128xi32, #tpu.memory_space<vmem>>, vector<16xi32>,
      %parallel_loop3A_187 = arith.index_cast %parallel_loop3A_172 : i32 to index
      %parallel_loop3A_188 = arith.constant 32 : index
      %parallel_loop3A_189 = tpu.vector_load %arg6[%parallel_loop3A_187, %parallel_loop3A_188] {strides = array<i32>} : memref<200x128xi32, #tpu.memory_space<vmem>>, vector<16xi32>,
      %parallel_loop3A_190 = tpu.vector_load_idx %arg5[%parallel_loop3A_189] : memref<128xi32, #tpu.memory_space<vmem>>[vector<16xi32>], vector<16xi32>,
      %parallel_loop3A_191 = arith.index_cast %parallel_loop3A_172 : i32 to index
      %parallel_loop3A_192 = arith.constant 32 : index
      %parallel_loop3A_193 = tpu.vector_load %arg7[%parallel_loop3A_191, %parallel_loop3A_192] {strides = array<i32>} : memref<200x128xi32, #tpu.memory_space<vmem>>, vector<16xi32>,
      tpu.vector_store %arg7[%parallel_loop3A_191, %parallel_loop3A_192], %parallel_loop3A_190 {strides = array<i32>} : memref<200x128xi32, #tpu.memory_space<vmem>>, vector<16xi32>,
      %parallel_loop3A_194 = arith.index_cast %parallel_loop3A_172 : i32 to index
      %parallel_loop3A_195 = arith.constant 48 : index
      %parallel_loop3A_196 = tpu.vector_load %arg6[%parallel_loop3A_194, %parallel_loop3A_195] {strides = array<i32>} : memref<200x128xi32, #tpu.memory_space<vmem>>, vector<16xi32>,
      %parallel_loop3A_197 = tpu.vector_load_idx %arg5[%parallel_loop3A_196] : memref<128xi32, #tpu.memory_space<vmem>>[vector<16xi32>], vector<16xi32>,
      %parallel_loop3A_198 = arith.index_cast %parallel_loop3A_172 : i32 to index
      %parallel_loop3A_199 = arith.constant 48 : index
      %parallel_loop3A_200 = tpu.vector_load %arg7[%parallel_loop3A_198, %parallel_loop3A_199] {strides = array<i32>} : memref<200x128xi32, #tpu.memory_space<vmem>>, vector<16xi32>,
      tpu.vector_store %arg7[%parallel_loop3A_198, %parallel_loop3A_199], %parallel_loop3A_197 {strides = array<i32>} : memref<200x128xi32, #tpu.memory_space<vmem>>, vector<16xi32>,
      %parallel_loop3A_201 = arith.index_cast %parallel_loop3A_172 : i32 to index
      %parallel_loop3A_202 = arith.constant 64 : index
      %parallel_loop3A_203 = tpu.vector_load %arg6[%parallel_loop3A_201, %parallel_loop3A_202] {strides = array<i32>} : memref<200x128xi32, #tpu.memory_space<vmem>>, vector<16xi32>,
      %parallel_loop3A_204 = tpu.vector_load_idx %arg5[%parallel_loop3A_203] : memref<128xi32, #tpu.memory_space<vmem>>[vector<16xi32>], vector<16xi32>,
      %parallel_loop3A_205 = arith.index_cast %parallel_loop3A_172 : i32 to index
      %parallel_loop3A_206 = arith.constant 64 : index
      %parallel_loop3A_207 = tpu.vector_load %arg7[%parallel_loop3A_205, %parallel_loop3A_206] {strides = array<i32>} : memref<200x128xi32, #tpu.memory_space<vmem>>, vector<16xi32>,
      tpu.vector_store %arg7[%parallel_loop3A_205, %parallel_loop3A_206], %parallel_loop3A_204 {strides = array<i32>} : memref<200x128xi32, #tpu.memory_space<vmem>>, vector<16xi32>,
      %parallel_loop3A_208 = arith.index_cast %parallel_loop3A_172 : i32 to index
      %parallel_loop3A_209 = arith.constant 80 : index
      %parallel_loop3A_210 = tpu.vector_load %arg6[%parallel_loop3A_208, %parallel_loop3A_209] {strides = array<i32>} : memref<200x128xi32, #tpu.memory_space<vmem>>, vector<16xi32>,
      %parallel_loop3A_211 = tpu.vector_load_idx %arg5[%parallel_loop3A_210] : memref<128xi32, #tpu.memory_space<vmem>>[vector<16xi32>], vector<16xi32>,
      %parallel_loop3A_212 = arith.index_cast %parallel_loop3A_172 : i32 to index
      %parallel_loop3A_213 = arith.constant 80 : index
      %parallel_loop3A_214 = tpu.vector_load %arg7[%parallel_loop3A_212, %parallel_loop3A_213] {strides = array<i32>} : memref<200x128xi32, #tpu.memory_space<vmem>>, vector<16xi32>,
      tpu.vector_store %arg7[%parallel_loop3A_212, %parallel_loop3A_213], %parallel_loop3A_211 {strides = array<i32>} : memref<200x128xi32, #tpu.memory_space<vmem>>, vector<16xi32>,
      %parallel_loop3A_215 = arith.index_cast %parallel_loop3A_172 : i32 to index
      %parallel_loop3A_216 = arith.constant 96 : index
      %parallel_loop3A_217 = tpu.vector_load %arg6[%parallel_loop3A_215, %parallel_loop3A_216] {strides = array<i32>} : memref<200x128xi32, #tpu.memory_space<vmem>>, vector<16xi32>,
      %parallel_loop3A_218 = tpu.vector_load_idx %arg5[%parallel_loop3A_217] : memref<128xi32, #tpu.memory_space<vmem>>[vector<16xi32>], vector<16xi32>,
      %parallel_loop3A_219 = arith.index_cast %parallel_loop3A_172 : i32 to index
      %parallel_loop3A_220 = arith.constant 96 : index
      %parallel_loop3A_221 = tpu.vector_load %arg7[%parallel_loop3A_219, %parallel_loop3A_220] {strides = array<i32>} : memref<200x128xi32, #tpu.memory_space<vmem>>, vector<16xi32>,
      tpu.vector_store %arg7[%parallel_loop3A_219, %parallel_loop3A_220], %parallel_loop3A_218 {strides = array<i32>} : memref<200x128xi32, #tpu.memory_space<vmem>>, vector<16xi32>,
      %parallel_loop3A_222 = arith.index_cast %parallel_loop3A_172 : i32 to index
      %parallel_loop3A_223 = arith.constant 112 : index
      %parallel_loop3A_224 = tpu.vector_load %arg6[%parallel_loop3A_222, %parallel_loop3A_223] {strides = array<i32>} : memref<200x128xi32, #tpu.memory_space<vmem>>, vector<16xi32>,
      %parallel_loop3A_225 = tpu.vector_load_idx %arg5[%parallel_loop3A_224] : memref<128xi32, #tpu.memory_space<vmem>>[vector<16xi32>], vector<16xi32>,
      %parallel_loop3A_226 = arith.index_cast %parallel_loop3A_172 : i32 to index
      %parallel_loop3A_227 = arith.constant 112 : index
      %parallel_loop3A_228 = tpu.vector_load %arg7[%parallel_loop3A_226, %parallel_loop3A_227] {strides = array<i32>} : memref<200x128xi32, #tpu.memory_space<vmem>>, vector<16xi32>,
      tpu.vector_store %arg7[%parallel_loop3A_226, %parallel_loop3A_227], %parallel_loop3A_225 {strides = array<i32>} : memref<200x128xi32, #tpu.memory_space<vmem>>, vector<16xi32>,
    } {sc.loop_unroll_factor = 4 : i64, sc.parallel_access}
    %dma_start3A_122 = arith.constant 168 : i32
    %dma_start3A_123 = arith.constant 0 : i32
    %dma_start3A_124 = tpu.memref_slice %arg7[%dma_start3A_122, %dma_start3A_123] : memref<200x128xi32, #tpu.memory_space<vmem>> -> memref<32x128xi32, #tpu.memory_space<vmem>>
    %dma_start3A_125 = arith.constant 168 : i32
    %dma_start3A_126 = tpu.memref_slice %arg4[%dma_start3A_125, %mul3A_2] : memref<200x4096xi32, #tpu.memory_space<hbm>> -> memref<32x128xi32, #tpu.memory_space<hbm>>
    %dma_start3A_127 = arith.constant 168 : i32
    %dma_start3A_128 = tpu.memref_slice %arg4[%dma_start3A_127, %mul3A_2] : memref<200x4096xi32, #tpu.memory_space<hbm>> -> memref<32x128xi32, #tpu.memory_space<hbm>>
    %dma_start3A_129 = arith.constant 168 : i32
    %dma_start3A_130 = arith.constant 0 : i32
    %dma_start3A_131 = tpu.memref_slice %arg7[%dma_start3A_129, %dma_start3A_130] : memref<200x128xi32, #tpu.memory_space<vmem>> -> memref<32x128xi32, #tpu.memory_space<vmem>>
    tpu.enqueue_dma source(%dma_start3A_131 : memref<32x128xi32, #tpu.memory_space<vmem>>) target(%dma_start3A_128 : memref<32x128xi32, #tpu.memory_space<hbm>>) target_semaphore(%arg12 : memref<!tpu.dma_semaphore, #tpu.memory_space<semaphore_mem>>)
    %dma_wait3A_132 = arith.constant 0 : i32
    %dma_wait3A_133 = arith.constant 0 : i32
    %dma_wait3A_134 = tpu.memref_slice %arg7[%dma_wait3A_132, %dma_wait3A_133] : memref<200x128xi32, #tpu.memory_space<vmem>> -> memref<56x128xi32, #tpu.memory_space<vmem>>
    %dma_wait3A_135 = arith.constant 0 : i32
    %dma_wait3A_136 = tpu.memref_slice %arg4[%dma_wait3A_135, %mul3A_2] : memref<200x4096xi32, #tpu.memory_space<hbm>> -> memref<56x128xi32, #tpu.memory_space<hbm>>
    %dma_wait3A_137 = arith.constant 0 : i32
    %dma_wait3A_138 = tpu.memref_slice %arg4[%dma_wait3A_137, %mul3A_2] : memref<200x4096xi32, #tpu.memory_space<hbm>> -> memref<56x128xi32, #tpu.memory_space<hbm>>
    %dma_wait3A_139 = arith.constant 0 : i32
    %dma_wait3A_140 = arith.constant 0 : i32
    %dma_wait3A_141 = tpu.memref_slice %arg7[%dma_wait3A_139, %dma_wait3A_140] : memref<200x128xi32, #tpu.memory_space<vmem>> -> memref<56x128xi32, #tpu.memory_space<vmem>>
    tpu.wait_dma2 semaphore(%arg12 : memref<!tpu.dma_semaphore, #tpu.memory_space<semaphore_mem>>) src(%dma_wait3A_141 : memref<56x128xi32, #tpu.memory_space<vmem>>) dst(%dma_wait3A_138 : memref<56x128xi32, #tpu.memory_space<hbm>>)
    %dma_wait3A_142 = arith.constant 56 : i32
    %dma_wait3A_143 = arith.constant 0 : i32
    %dma_wait3A_144 = tpu.memref_slice %arg7[%dma_wait3A_142, %dma_wait3A_143] : memref<200x128xi32, #tpu.memory_space<vmem>> -> memref<56x128xi32, #tpu.memory_space<vmem>>
    %dma_wait3A_145 = arith.constant 56 : i32
    %dma_wait3A_146 = tpu.memref_slice %arg4[%dma_wait3A_145, %mul3A_2] : memref<200x4096xi32, #tpu.memory_space<hbm>> -> memref<56x128xi32, #tpu.memory_space<hbm>>
    %dma_wait3A_147 = arith.constant 56 : i32
    %dma_wait3A_148 = tpu.memref_slice %arg4[%dma_wait3A_147, %mul3A_2] : memref<200x4096xi32, #tpu.memory_space<hbm>> -> memref<56x128xi32, #tpu.memory_space<hbm>>
    %dma_wait3A_149 = arith.constant 56 : i32
    %dma_wait3A_150 = arith.constant 0 : i32
    %dma_wait3A_151 = tpu.memref_slice %arg7[%dma_wait3A_149, %dma_wait3A_150] : memref<200x128xi32, #tpu.memory_space<vmem>> -> memref<56x128xi32, #tpu.memory_space<vmem>>
    tpu.wait_dma2 semaphore(%arg12 : memref<!tpu.dma_semaphore, #tpu.memory_space<semaphore_mem>>) src(%dma_wait3A_151 : memref<56x128xi32, #tpu.memory_space<vmem>>) dst(%dma_wait3A_148 : memref<56x128xi32, #tpu.memory_space<hbm>>)
    %dma_wait3A_152 = arith.constant 112 : i32
    %dma_wait3A_153 = arith.constant 0 : i32
    %dma_wait3A_154 = tpu.memref_slice %arg7[%dma_wait3A_152, %dma_wait3A_153] : memref<200x128xi32, #tpu.memory_space<vmem>> -> memref<56x128xi32, #tpu.memory_space<vmem>>
    %dma_wait3A_155 = arith.constant 112 : i32
    %dma_wait3A_156 = tpu.memref_slice %arg4[%dma_wait3A_155, %mul3A_2] : memref<200x4096xi32, #tpu.memory_space<hbm>> -> memref<56x128xi32, #tpu.memory_space<hbm>>
    %dma_wait3A_157 = arith.constant 112 : i32
    %dma_wait3A_158 = tpu.memref_slice %arg4[%dma_wait3A_157, %mul3A_2] : memref<200x4096xi32, #tpu.memory_space<hbm>> -> memref<56x128xi32, #tpu.memory_space<hbm>>
    %dma_wait3A_159 = arith.constant 112 : i32
    %dma_wait3A_160 = arith.constant 0 : i32
    %dma_wait3A_161 = tpu.memref_slice %arg7[%dma_wait3A_159, %dma_wait3A_160] : memref<200x128xi32, #tpu.memory_space<vmem>> -> memref<56x128xi32, #tpu.memory_space<vmem>>
    tpu.wait_dma2 semaphore(%arg12 : memref<!tpu.dma_semaphore, #tpu.memory_space<semaphore_mem>>) src(%dma_wait3A_161 : memref<56x128xi32, #tpu.memory_space<vmem>>) dst(%dma_wait3A_158 : memref<56x128xi32, #tpu.memory_space<hbm>>)
    %dma_wait3A_162 = arith.constant 168 : i32
    %dma_wait3A_163 = arith.constant 0 : i32
    %dma_wait3A_164 = tpu.memref_slice %arg7[%dma_wait3A_162, %dma_wait3A_163] : memref<200x128xi32, #tpu.memory_space<vmem>> -> memref<32x128xi32, #tpu.memory_space<vmem>>
    %dma_wait3A_165 = arith.constant 168 : i32
    %dma_wait3A_166 = tpu.memref_slice %arg4[%dma_wait3A_165, %mul3A_2] : memref<200x4096xi32, #tpu.memory_space<hbm>> -> memref<32x128xi32, #tpu.memory_space<hbm>>
    %dma_wait3A_167 = arith.constant 168 : i32
    %dma_wait3A_168 = tpu.memref_slice %arg4[%dma_wait3A_167, %mul3A_2] : memref<200x4096xi32, #tpu.memory_space<hbm>> -> memref<32x128xi32, #tpu.memory_space<hbm>>
    %dma_wait3A_169 = arith.constant 168 : i32
    %dma_wait3A_170 = arith.constant 0 : i32
    %dma_wait3A_171 = tpu.memref_slice %arg7[%dma_wait3A_169, %dma_wait3A_170] : memref<200x128xi32, #tpu.memory_space<vmem>> -> memref<32x128xi32, #tpu.memory_space<vmem>>
    tpu.wait_dma2 semaphore(%arg12 : memref<!tpu.dma_semaphore, #tpu.memory_space<semaphore_mem>>) src(%dma_wait3A_171 : memref<32x128xi32, #tpu.memory_space<vmem>>) dst(%dma_wait3A_168 : memref<32x128xi32, #tpu.memory_space<hbm>>)
    return
  }
}

</mosaic_0001>

<sc_bundles>
// kernel: _sc_lookup_t.3.cloned.1.call-start
scs
__scs_entry_jumppad:
0x0: {  	(pc) =	sbr.rel $0x88, $3  }
0x1: {  	(tag) =	ssettag $0x0;
	lr =	simm.s32 $0x1  }
0x2: {  	[smem:$0x3F9F] =	sst lr;
	_ =	strace $0xD0000000  }
0x3: {  	_ = 	snop  }
0x4: {  	_ = 	snop  }
0x5: {  	_ = 	snop  }
0x6: {  	_ = 	snop  }
0x7: {  	_ = 	snop  }
__scs_overlays_trampoline_lowered:
0x8: {  	[smem:$0x3FAE] =	sst s0  }
0x9: {  	[smem:$0x3FAF] =	sst s1  }
0xa: {  	[smem:$0x3FB0] =	sst s2  }
0xb: {  	[smem:$0x3FB1] =	sst s3  }
0xc: {  	[smem:$0x3FB2] =	sst s4  }
0xd: {  	[smem:$0x3FB3] =	sst s5  }
0xe: {  	[smem:$0x3FB4] =	sst s6  }
0xf: {  	[smem:$0x3FB5] =	sst s7  }
0x10: {  	[smem:$0x3FB6] =	sst s8  }
0x11: {  	[smem:$0x3FB7] =	sst s9;
	s0 =	simm.s32 @!p0 $0x0  }
0x12: {  	s1 =	sld [smem:$0x3F9D];
	s0 =	simm.s32 @p0 $0x1  }
0x13: {  	[smem:$0x3FB8] =	sst s0;
	s0 =	simm.s32 @!p1 $0x0  }
0x14: {  	s2 =	sld [smem:$0x3F9C];
	s0 =	simm.s32 @p1 $0x1  }
0x15: {  	[smem:$0x3FB9] =	sst s0;
	s0 =	simm.s32 @!p2 $0x0  }
0x16: {  	s3 =	sld [smem:$0x3FDB];
	s0 =	simm.s32 @p2 $0x1  }
0x17: {  	s4 =	simm.s32 $0x1BF5;
	[smem:$0x3FBB] =	sst s0  }
0x18: {  	s0 =	sld [smem:$0x3F9E];
	_ =	swait.ge [sflag:s4], $0x0  }
0x19: {  	s7 =	sld [smem:$0x3F9F]  }
0x1a: {  	s8 =	sadd.s32 $0xFFFFE003, lr  }
0x1b: {  	s9 =	sadd.s32 $0xFFFFFEF7, lr;
	s5 =	simm.s32 $0xFFFFFFFF;
	p2 =	slt.u32 s8, $0xFFFFF086  }
0x1c: {  	p1 =	slt.u32 s9, $0xF7A;
	s5 =	simm.s32 @!p2 $0x0  }
0x1d: {  	s5 =	simm.s32 @p1 $0x1;
	p0 =	seq.s32 s7, s2  }
0x1e: {  	s7 =	smul.u32 @!p0 $0xF7A, s2;
	p2 =	seq.s32 @!p0 s5, $0x0  }
0x1f: {  	s9 =	smul.u32 $0xF7A, s1;
	s8 =	simm.s32 @!p0 $0x1BF5;
	p2 =	por !p2, p0  }
0x20: {  	[sflag:s8] =	ssyncset.s32 @!p0 $0xFFFFF086;
	s6 =	sadd.s32 @!p0 s3, s7;
	s7 =	simm.s32 @!p0 $0x108  }
0x21: {  	s3 =	sadd.s32 s3, s9;
	s6 =	sadd.s32 @!p0 $0x88, s6;
	s7 =	simm.s32 @p2 $0x1082  }
0x22: {  	[simem:s7], [sflag:s8] =	dma.local @!p0 [hbm:s6], $0xF7A  }
0x23: {  	s9 =	sor.u32 $0xD0000000, s2;
	s6 =	simm.s32 $0x108;
	_ =	swait.ge @!p0 [sflag:s8], $0x0  }
0x24: {  	s3 =	sadd.s32 $0x88, s3;
	s6 =	simm.s32 @!p1 $0x1082;
	[sflag:s4] =	ssyncset.s32 $0xFFFFF086  }
0x25: {  	[simem:s6], [sflag:s4] =	dma.local [hbm:s3], $0xF7A  }
0x26: {  	[smem:$0x3F9F] =	sst s1;
	(tag) =	ssettag s2;
	_ =	strace s9  }
0x27: {  	s1 =	sld [smem:$0x3FAF]  }
0x28: {  	s2 =	sld [smem:$0x3FB0]  }
0x29: {  	s4 =	sld [smem:$0x3FB2]  }
0x2a: {  	p0 =	seq.s32 s5, $0x0;
	s5 =	sld [smem:$0x3FB3]  }
0x2b: {  	s6 =	sld [smem:$0x3FB4]  }
0x2c: {  	s7 =	sld [smem:$0x3FB5]  }
0x2d: {  	s3 =	simm.s32 $0x108;
	s8 =	sld [smem:$0x3FB6]  }
0x2e: {  	s3 =	simm.s32 @!p0 $0x1082;
	s9 =	sld [smem:$0x3FB7]  }
0x2f: {  	lr =	sadd.s32 s0, s3;
	s0 =	sld [smem:$0x3FAE]  }
0x30: {  	s3 =	sld [smem:$0x3FB1]  }
0x31: {  	[smem:$0x3FBA] =	sst s10  }
0x32: {  	s10 =	sld [smem:$0x3FB8];
	_ =	sdelay $0x3  }
0x33: {  	p0 =	seq.s32 s10, $0x1;
	s10 =	sld [smem:$0x3FBA];
	_ =	sdelay $0x3  }
0x34: {  	[smem:$0x3FBA] =	sst s10  }
0x35: {  	s10 =	sld [smem:$0x3FB9];
	_ =	sdelay $0x3  }
0x36: {  	p1 =	seq.s32 s10, $0x1;
	s10 =	sld [smem:$0x3FBA];
	_ =	sdelay $0x3  }
0x37: {  	[smem:$0x3FBA] =	sst s10  }
0x38: {  	s10 =	sld [smem:$0x3FBB]  }
0x39: {  	_ = 	snop;
	(pc) =	sbr.ind lr, $3  }
0x3a: {  	_ = 	snop  }
0x3b: {  	_ = 	snop  }
0x3c: {  	p2 =	seq.s32 s10, $0x1;
	s10 =	sld [smem:$0x3FBA]  }
0x3d: {  	_ =	shalt  }
0x3e: {  	_ =	shalt  }
0x3f: {  	_ =	shalt  }
0x40: {  	_ =	shalt  }
0x41: {  	_ =	shalt  }
0x42: {  	_ =	shalt  }
0x43: {  	_ =	shalt  }
0x44: {  	_ =	shalt  }
0x45: {  	_ =	shalt  }
0x46: {  	_ =	shalt  }
0x47: {  	_ =	shalt  }
0x48: {  	_ =	shalt  }
0x49: {  	_ =	shalt  }
0x4a: {  	_ =	shalt  }
0x4b: {  	_ =	shalt  }
0x4c: {  	_ =	shalt  }
0x4d: {  	_ =	shalt  }
0x4e: {  	_ =	shalt  }
0x4f: {  	_ =	shalt  }
0x50: {  	_ =	shalt  }
0x51: {  	_ =	shalt  }
0x52: {  	_ =	shalt  }
0x53: {  	_ =	shalt  }
0x54: {  	_ =	shalt  }
0x55: {  	_ =	shalt  }
0x56: {  	_ =	shalt  }
0x57: {  	_ =	shalt  }
0x58: {  	_ =	shalt  }
0x59: {  	_ =	shalt  }
0x5a: {  	_ =	shalt  }
0x5b: {  	_ =	shalt  }
0x5c: {  	_ =	shalt  }
0x5d: {  	_ =	shalt  }
0x5e: {  	_ =	shalt  }
0x5f: {  	_ =	shalt  }
0x60: {  	_ =	shalt  }
0x61: {  	_ =	shalt  }
0x62: {  	_ =	shalt  }
0x63: {  	_ =	shalt  }
0x64: {  	_ =	shalt  }
0x65: {  	_ =	shalt  }
0x66: {  	_ =	shalt  }
0x67: {  	_ =	shalt  }
0x68: {  	_ =	shalt  }
0x69: {  	_ =	shalt  }
0x6a: {  	_ =	shalt  }
0x6b: {  	_ =	shalt  }
0x6c: {  	_ =	shalt  }
0x6d: {  	_ =	shalt  }
0x6e: {  	_ =	shalt  }
0x6f: {  	_ =	shalt  }
0x70: {  	_ =	shalt  }
0x71: {  	_ =	shalt  }
0x72: {  	_ =	shalt  }
0x73: {  	_ =	shalt  }
0x74: {  	_ =	shalt  }
0x75: {  	_ =	shalt  }
0x76: {  	_ =	shalt  }
0x77: {  	_ =	shalt  }
0x78: {  	_ =	shalt  }
0x79: {  	_ =	shalt  }
0x7a: {  	_ =	shalt  }
0x7b: {  	_ =	shalt  }
0x7c: {  	_ =	shalt  }
0x7d: {  	_ =	shalt  }
0x7e: {  	_ =	shalt  }
0x7f: {  	_ =	shalt  }
0x80: {  	_ =	shalt  }
0x81: {  	_ =	shalt  }
0x82: {  	_ =	shalt  }
0x83: {  	_ =	shalt  }
0x84: {  	_ =	shalt  }
0x85: {  	_ =	shalt  }
0x86: {  	_ =	shalt  }
0x87: {  	_ =	shalt  }
.Lfunc_end0:
.L_simem_size_0:
called_computation_lowered:
.L_overlay_start_0:
0x88: {  	s2 =	sld [smem:$0x3FD9]  }
0x89: {  	s3 =	sld [smem:$0x3FFE];
	_ =	sdelay $0x1  }
0x8a: {  	s1 =	srdreg.scid  }
0x8b: {  	s0 =	sand.u32 $0x1, s1  }
0x8c: {  	s18 =	sshll.u32 s0, $0xA;
	s2 =	sadd.s32 s3, s2  }
0x8d: {  	s2 =	sadd.s32 s2, s18  }
0x8e: {  	[smem:$0x3FC6] =	sst s2  }
0x8f: {  	_ = 	snop  }
0x90: {  	s2 =	sld [smem:$0x3FC9]  }
0x91: {  	s19 =	sld [smem:$0x3FC8]  }
0x92: {  	s4 =	sld [smem:$0x3FD0];
	(tm) =	ssettm $0x1  }
0x93: {  	s5 =	sld [smem:$0x3FFB];
	_ =	sdelay $0x3  }
0x94: {  	_ =	strace s5  }
0x95: {  	s5 =	sld [smem:$0x3FFC];
	_ =	sdelay $0x3  }
0x96: {  	_ =	strace s5  }
0x97: {  	s5 =	sld [smem:$0x3FFD];
	_ =	sdelay $0x3  }
0x98: {  	_ =	strace s5  }
0x99: {  	_ =	strace $0x8FFFFFFF  }
0x9a: {  	s20 =	sld [smem:$0x3FDB];
	_ =	sdelay $0x1  }
0x9b: {  	s6 =	simm.s32 $_scs_section_size  }
0x9c: {  	s7 =	simm.s32 $_size__tile_overlayer_lowered;
	s8 =	simm.s32 $_tile_overlayer_lowered  }
0x9d: {  	s23 =	simm.s32 $0x1BFF;
	s22 =	sshll.u32 s8, $0x1;
	s5 =	sadd.s32 s6, s20  }
0x9e: {  	s9 =	simm.s32 $0x0;
	s21 =	sshll.u32 s7, $0x1;
	s7 =	sadd.s32 s22, s5  }
0x9f: {  	[timem:s9], [sflag:s23] =	dma.local [hbm:s7], s21  }
0xa0: {  	_ =	swait.ge [sflag:s23], s21  }
0xa1: {  	s6 =	ssub.s32 $0x0, s21;
	[sflag:s23] =	ssyncset.done $0x0  }
0xa2: {  	[sflag:s23] =	ssyncadd.s32 s6;
	_ =	sdelay $0x1  }
0xa3: {  	s24 =	simm.s32 $0x1B8B  }
0xa4: {  	_ =	swait.ge [sflag:s24], $0x1  }
0xa5: {  	[sflag:s24] =	ssyncset.done $0x0  }
0xa6: {  	s25 =	simm.s32 $0x1B8E;
	[sflag:s24] =	ssyncadd.s32 $0xFFFFFFFF  }
0xa7: {  	s26 =	simm.s32 $execute0_lowered;
	[smem:$0x3FD2] =	sst s25  }
0xa8: {  	s6 =	sshll.u32 s26, $0x1;
	_ =	strace $0x80000046;
	[dreg:$0x1] =	wrdreg $0xFFFFFFFF  }
0xa9: {  	s28 =	simm.s32 $_size_execute0_lowered;
	s5 =	sadd.s32 s5, s6;
	[dreg:$0x0] =	wrdreg $0x0  }
0xaa: {  	s6 =	sshll.u32 s28, $0x1;
	[dreg:$0x2] =	wrdreg s5  }
0xab: {  	[dreg:$0x3] =	wrdreg s6  }
0xac: {  	[dreg:$0x4] =	wrdreg $0xC0  }
0xad: {  	_ =	task [dreg:s9], $0x5FFFF  }
0xae: {  	[dreg:$0x1] =	wrdreg $0xFFFFFFFF  }
0xaf: {  	[dreg:$0x0] =	wrdreg $0x60  }
0xb0: {  	[dreg:$0x2] =	wrdreg s2  }
0xb1: {  	[dreg:$0x3] =	wrdreg s19  }
0xb2: {  	[dreg:$0x4] =	wrdreg s4  }
0xb3: {  	[dreg:$0x5] =	wrdreg $0x9  }
0xb4: {  	_ =	task.clear_ibuf [dreg:s9], $0x6FFFF;
	_ =	strace $0x90000046  }
0xb5: {  	s29 =	simm.s32 $0x9;
	_ =	strace $0x80000048  }
0xb6: {  	_ =	swait.ge [sflag:s29], $0x1  }
0xb7: {  	[sflag:s29] =	ssyncadd.s32 $0xFFFFFFFF  }
0xb8: {  	_ =	strace $0x90000048  }
0xb9: {  	_ =	sfence  }
0xba: {  	s30 =	sld [smem:$0x0];
	_ =	sdelay $0x2  }
0xbb: {  	s31 =	sshll.u32 s1, $0xD;
	s1 =	sshrl.u32 s1, $0x2  }
0xbc: {  	s3 =	sand.u32 $0x4000, s31;
	s1 =	sadd.s32 s1, s30  }
0xbd: {  	s0 =	sor.u32 s3, s0;
	s1 =	sshll.u32 s1, $0x11  }
0xbe: {  	s0 =	sor.u32 s1, s0  }
0xbf: {  	s0 =	sadd.s32 $0x8F2B, s0  }
0xc0: {  	[sflag:s0] =	ssyncadd.remote.s32 $0x1  }
0xc1: {  	_ =	sfence.sel $0xFFFF  }
0xc2: {  	[dreg:$0x0] =	wrdreg $0xFFFFFFFF;
	(pc) =	sbr.abs _section_cstart, $3  }
0xc3: {  	[dreg:$0x1] =	wrdreg $0xFFFFFFFF  }
0xc4: {  	_ =	task.clear_ibuf [dreg:s9], $0x2FFFF;
	_ =	strace $0x9FFFFFFF  }
0xc5: {  	(tm) =	ssettm $0x7FFFFFFF  }
tec
execute0_lowered:
.L_overlay_start_1:
0x0: {  	(tag) =	ssettag $0x1  }
0x1: {  	s0 =	rddreg [dreg:$0x0]  }
0x2: {  	s1 =	rddreg [dreg:$0x2]  }
0x3: {  	s3 =	simm.s32 $0x0;
	s2 =	srdreg.scid;
	s5 =	stileid.u32  }
0x4: {  	s13 =	simm.s32 $0x400;
	s14 =	simm.s32 $0x8000;
	s17 =	simm.s32 $0x3880  }
0x5: {  	s18 =	simm.s32 $0x5480;
	s19 =	simm.s32 $0x6;
	s20 =	simm.s32 $0x1  }
0x6: {  	s21 =	simm.s32 $0x6480;
	s22 =	simm.s32 $0x2;
	s23 =	simm.s32 $0x8080  }
0x7: {  	s24 =	simm.s32 $0x3;
	s25 =	simm.s32 $0x9C80;
	s26 =	simm.s32 $0x4  }
0x8: {  	s28 =	simm.s32 $0xB880;
	s29 =	simm.s32 $0x5;
	s2 =	sand.u32 $0x1, s2  }
0x9: {  	s30 =	simm.s32 $0x0;
	[smem:$0x7FF] =	sst s3;
	s4 =	ssub.s32 $0x2, s2  }
0xa: {  	s5 =	sshll.u32 s5, $0x8;
	s2 =	sshll.u32 s2, $0x7;
	s6 =	sshrl.u32 s4, $0x1  }
0xb: {  	_ =	strace $0x80000047;
	s2 =	sor.u32 s2, s5;
	s12 =	ssub.s32 s4, s6  }
0xc: {  	s4 =	sadd.s32 s0, s2;
	s9 =	sor.u32 $0x7000, s2;
	s10 =	sor.u32 $0xE000, s2  }
0xd: {  	s11 =	sor.u32 $0x15000, s2;
	s8 =	sadd.s32 s1, s2;
	s5 =	sadd.s32 s0, s9  }
0xe: {  	s6 =	sadd.s32 s0, s10;
	s7 =	sadd.s32 s0, s11;
	s9 =	sadd.s32 s1, s9  }
0xf: {  	s10 =	sadd.s32 s1, s10;
	s11 =	sadd.s32 s1, s11;
	s12 =	smax.u32 s12, $0x1  }
.LBB2_1:
0x10: {  	s0 =	simm.s32 $0x80  }
0x11: {  	[tilespmem:s0], [sflag:$0x1] =	stream.strided.gather [hbm4b:s4+s13], $0x1C00, s14, s13, $0x38;
	[tilespmem:$0xC880] =	vst v63  }
0x12: {  	s15 =	simm.s32 $0x1C80  }
0x13: {  	[tilespmem:s15], [sflag:$0x2] =	stream.strided.gather [hbm4b:s5+s13], $0x1C00, s14, s13, $0x38;
	[tilespmem:$0xC880] =	vst v63  }
0x14: {  	_ = 	snop  }
0x15: {  	[tilespmem:s17], [sflag:$0x3] =	stream.strided.gather [hbm4b:s6+s13], $0x1C00, s14, s13, $0x38;
	[tilespmem:$0xC880] =	vst v63  }
0x16: {  	_ = 	snop  }
0x17: {  	[tilespmem:s18], [sflag:$0x4] =	stream.strided.gather [hbm4b:s7+s13], $0x1000, s14, s13, $0x38;
	[tilespmem:$0xC880] =	vst v63  }
0x18: {  	s16 =	rddreg [dreg:$0x1]  }
0x19: {  	[tilespmem:s3], [sflag:$0x6] =	stream.linear.gather [hbm4b:s16+s3], $0x80, $0x38;
	[tilespmem:$0xC880] =	vst v63  }
0x1a: {  	_ =	swait.ge [sflag:s19], $0x80  }
0x1b: {  	[sflag:s19] =	ssyncset.done $0x0  }
0x1c: {  	[sflag:s19] =	ssyncadd.s32 $0xFFFFFF80  }
0x1d: {  	_ =	swait.ge [sflag:s20], $0x1C00  }
0x1e: {  	[sflag:s20] =	ssyncset.done $0x0  }
0x1f: {  	s1 =	simm.s32 $0x180;
	[sflag:s20] =	ssyncadd.s32 $0xFFFFE400  }
0x20: {  	v0 =	vld [tilespmem:s1+$0x80]  }
0x21: {  	v1 =	vld [tilespmem:s1+$0xFFFFFF80]  }
0x22: {  	v2 =	vld [tilespmem:s1+$0x0];
	_ =	sdelay $0x2  }
0x23: {  	v3 =	vld [tilespmem:s1+$0xFFFFFF00];
	_ =	sdelay $0x2  }
0x24: {  	v0 =	vld.idx.msk [tilespmem:v0+s3+$0x0], $0xffff  }
0x25: {  	v1 =	vld.idx.msk [tilespmem:v1+s3+$0x0], $0xffff  }
0x26: {  	v2 =	vld.idx.msk [tilespmem:v2+s3+$0x0], $0xffff;
	_ =	sdelay $0x1  }
0x27: {  	s31 =	simm.s32 $0x6580  }
0x28: {  	v3 =	vld.idx.msk [tilespmem:v3+s3+$0x0], $0xffff;
	[tilespmem:s31+$0x80] =	vst v0  }
0x29: {  	[tilespmem:s31+$0xFFFFFF80] =	vst v1;
	v0 =	vld [tilespmem:s1+$0x90]  }
0x2a: {  	[tilespmem:s31+$0x0] =	vst v2;
	v1 =	vld [tilespmem:s1+$0xFFFFFF90]  }
0x2b: {  	v2 =	vld [tilespmem:s1+$0x10];
	_ =	sdelay $0x1  }
0x2c: {  	[tilespmem:s31+$0xFFFFFF00] =	vst v3  }
0x2d: {  	v3 =	vld [tilespmem:s1+$0xFFFFFF10];
	_ =	sdelay $0x2  }
0x2e: {  	v0 =	vld.idx.msk [tilespmem:v0+s3+$0x0], $0xffff  }
0x2f: {  	v1 =	vld.idx.msk [tilespmem:v1+s3+$0x0], $0xffff  }
0x30: {  	v2 =	vld.idx.msk [tilespmem:v2+s3+$0x0], $0xffff;
	_ =	sdelay $0x2  }
0x31: {  	v3 =	vld.idx.msk [tilespmem:v3+s3+$0x0], $0xffff;
	[tilespmem:s31+$0x90] =	vst v0  }
0x32: {  	[tilespmem:s31+$0xFFFFFF90] =	vst v1;
	v0 =	vld [tilespmem:s1+$0xA0]  }
0x33: {  	[tilespmem:s31+$0x10] =	vst v2;
	v1 =	vld [tilespmem:s1+$0xFFFFFFA0]  }
0x34: {  	v2 =	vld [tilespmem:s1+$0x20];
	_ =	sdelay $0x1  }
0x35: {  	[tilespmem:s31+$0xFFFFFF10] =	vst v3  }
0x36: {  	v3 =	vld [tilespmem:s1+$0xFFFFFF20]  }
0x37: {  	s0 =	simm.s32 $0x380  }
0x38: {  	v4 =	vld [tilespmem:s0+$0x80]  }
0x39: {  	v0 =	vld.idx.msk [tilespmem:v0+s3+$0x0], $0xffff  }
0x3a: {  	v1 =	vld.idx.msk [tilespmem:v1+s3+$0x0], $0xffff  }
0x3b: {  	v2 =	vld.idx.msk [tilespmem:v2+s3+$0x0], $0xffff;
	_ =	sdelay $0x1  }
0x3c: {  	v5 =	vld [tilespmem:s0+$0xFFFFFF80]  }
0x3d: {  	v3 =	vld.idx.msk [tilespmem:v3+s3+$0x0], $0xffff;
	[tilespmem:s31+$0xA0] =	vst v0  }
0x3e: {  	[tilespmem:s31+$0xFFFFFFA0] =	vst v1;
	v0 =	vld [tilespmem:s1+$0xB0]  }
0x3f: {  	[tilespmem:s31+$0x20] =	vst v2;
	v1 =	vld [tilespmem:s1+$0xFFFFFFB0]  }
0x40: {  	v2 =	vld [tilespmem:s1+$0x30];
	_ =	sdelay $0x1  }
0x41: {  	v4 =	vld.idx.msk [tilespmem:v4+s3+$0x0], $0xffff;
	[tilespmem:s31+$0xFFFFFF20] =	vst v3  }
0x42: {  	v3 =	vld [tilespmem:s1+$0xFFFFFF30]  }
0x43: {  	v5 =	vld.idx.msk [tilespmem:v5+s3+$0x0], $0xffff  }
0x44: {  	v6 =	vld [tilespmem:s0+$0x0]  }
0x45: {  	v0 =	vld.idx.msk [tilespmem:v0+s3+$0x0], $0xffff  }
0x46: {  	s2 =	simm.s32 $0x6780;
	v1 =	vld.idx.msk [tilespmem:v1+s3+$0x0], $0xffff  }
0x47: {  	[tilespmem:s2+$0x80] =	vst v4;
	v2 =	vld.idx.msk [tilespmem:v2+s3+$0x0], $0xffff  }
0x48: {  	[tilespmem:s2+$0xFFFFFF80] =	vst v5;
	v4 =	vld [tilespmem:s0+$0x90]  }
0x49: {  	v5 =	vld [tilespmem:s0+$0xFFFFFF90]  }
0x4a: {  	v3 =	vld.idx.msk [tilespmem:v3+s3+$0x0], $0xffff;
	[tilespmem:s31+$0xB0] =	vst v0  }
0x4b: {  	[tilespmem:s31+$0xFFFFFFB0] =	vst v1;
	v0 =	vld [tilespmem:s1+$0xC0]  }
0x4c: {  	[tilespmem:s31+$0x30] =	vst v2;
	v1 =	vld [tilespmem:s1+$0xFFFFFFC0]  }
0x4d: {  	v2 =	vld [tilespmem:s1+$0x40]  }
0x4e: {  	v7 =	vld [tilespmem:s0+$0xFFFFFF00]  }
0x4f: {  	v6 =	vld.idx.msk [tilespmem:v6+s3+$0x0], $0xffff  }
0x50: {  	v4 =	vld.idx.msk [tilespmem:v4+s3+$0x0], $0xffff;
	[tilespmem:s31+$0xFFFFFF30] =	vst v3  }
0x51: {  	v3 =	vld [tilespmem:s1+$0xFFFFFF40]  }
0x52: {  	v5 =	vld.idx.msk [tilespmem:v5+s3+$0x0], $0xffff  }
0x53: {  	v0 =	vld.idx.msk [tilespmem:v0+s3+$0x0], $0xffff  }
0x54: {  	v1 =	vld.idx.msk [tilespmem:v1+s3+$0x0], $0xffff  }
0x55: {  	[tilespmem:s2+$0x0] =	vst v6;
	v2 =	vld.idx.msk [tilespmem:v2+s3+$0x0], $0xffff  }
0x56: {  	[tilespmem:s2+$0x90] =	vst v4  }
0x57: {  	v7 =	vld.idx.msk [tilespmem:v7+s3+$0x0], $0xffff;
	[tilespmem:s2+$0xFFFFFF90] =	vst v5  }
0x58: {  	v5 =	vld [tilespmem:s0+$0xA0];
	[tilespmem:s31+$0xC0] =	vst v0  }
0x59: {  	[tilespmem:s31+$0xFFFFFFC0] =	vst v1;
	v1 =	vld.idx.msk [tilespmem:v3+s3+$0x0], $0xffff  }
0x5a: {  	[tilespmem:s31+$0x40] =	vst v2;
	v2 =	vld [tilespmem:s0+$0x10]  }
0x5b: {  	v0 =	vld [tilespmem:s1+$0xD0]  }
0x5c: {  	v3 =	vld [tilespmem:s1+$0xFFFFFFD0]  }
0x5d: {  	[tilespmem:s2+$0xFFFFFF00] =	vst v7;
	v6 =	vld [tilespmem:s1+$0x50]  }
0x5e: {  	[tilespmem:s31+$0xFFFFFF40] =	vst v1;
	v1 =	vld [tilespmem:s0+$0xFFFFFF10]  }
0x5f: {  	v7 =	vld [tilespmem:s1+$0xFFFFFF50];
	_ =	sdelay $0x1  }
0x60: {  	v5 =	vld.idx.msk [tilespmem:v5+s3+$0x0], $0xffff  }
0x61: {  	v2 =	vld.idx.msk [tilespmem:v2+s3+$0x0], $0xffff  }
0x62: {  	v0 =	vld.idx.msk [tilespmem:v0+s3+$0x0], $0xffff  }
0x63: {  	v3 =	vld.idx.msk [tilespmem:v3+s3+$0x0], $0xffff  }
0x64: {  	v6 =	vld.idx.msk [tilespmem:v6+s3+$0x0], $0xffff  }
0x65: {  	v1 =	vld.idx.msk [tilespmem:v1+s3+$0x0], $0xffff  }
0x66: {  	v4 =	vld.idx.msk [tilespmem:v7+s3+$0x0], $0xffff  }
0x67: {  	[tilespmem:s2+$0x10] =	vst v2;
	v7 =	vld [tilespmem:s0+$0xFFFFFFA0]  }
0x68: {  	[tilespmem:s31+$0xD0] =	vst v0;
	v2 =	vld [tilespmem:s0+$0x20]  }
0x69: {  	[tilespmem:s31+$0xFFFFFFD0] =	vst v3;
	v0 =	vld [tilespmem:s1+$0xE0]  }
0x6a: {  	v3 =	vld [tilespmem:s1+$0xFFFFFFE0];
	[tilespmem:s2+$0xFFFFFF10] =	vst v1  }
0x6b: {  	v1 =	vld [tilespmem:s0+$0xFFFFFF20];
	[tilespmem:s31+$0xFFFFFF50] =	vst v4  }
0x6c: {  	[tilespmem:s2+$0xA0] =	vst v5;
	v4 =	vld [tilespmem:s1+$0xFFFFFF60]  }
0x6d: {  	v5 =	vld [tilespmem:s0+$0xB0];
	[tilespmem:s31+$0x50] =	vst v6  }
0x6e: {  	v6 =	vld [tilespmem:s1+$0x60]  }
0x6f: {  	v7 =	vld.idx.msk [tilespmem:v7+s3+$0x0], $0xffff  }
0x70: {  	v2 =	vld.idx.msk [tilespmem:v2+s3+$0x0], $0xffff  }
0x71: {  	v0 =	vld.idx.msk [tilespmem:v0+s3+$0x0], $0xffff  }
0x72: {  	v3 =	vld.idx.msk [tilespmem:v3+s3+$0x0], $0xffff  }
0x73: {  	v1 =	vld.idx.msk [tilespmem:v1+s3+$0x0], $0xffff  }
0x74: {  	[tilespmem:s2+$0xFFFFFFA0] =	vst v7;
	v4 =	vld.idx.msk [tilespmem:v4+s3+$0x0], $0xffff  }
0x75: {  	[tilespmem:s2+$0x20] =	vst v2;
	v7 =	vld [tilespmem:s0+$0xFFFFFFB0]  }
0x76: {  	[tilespmem:s31+$0xE0] =	vst v0;
	v2 =	vld [tilespmem:s0+$0x30]  }
0x77: {  	v0 =	vld [tilespmem:s1+$0xF0]  }
0x78: {  	v6 =	vld.idx.msk [tilespmem:v6+s3+$0x0], $0xffff;
	[tilespmem:s2+$0xFFFFFF20] =	vst v1  }
0x79: {  	[tilespmem:s31+$0xFFFFFFE0] =	vst v3;
	v1 =	vld [tilespmem:s0+$0xFFFFFF30]  }
0x7a: {  	v3 =	vld.idx.msk [tilespmem:v5+s3+$0x0], $0xffff;
	[tilespmem:s31+$0xFFFFFF60] =	vst v4  }
0x7b: {  	v4 =	vld [tilespmem:s1+$0xFFFFFF70]  }
0x7c: {  	v9 =	vld [tilespmem:s1+$0xFFFFFFF0]  }
0x7d: {  	v5 =	vld.idx.msk [tilespmem:v7+s3+$0x0], $0xffff  }
0x7e: {  	v2 =	vld.idx.msk [tilespmem:v2+s3+$0x0], $0xffff  }
0x7f: {  	[tilespmem:s31+$0x60] =	vst v6;
	v8 =	vld.idx.msk [tilespmem:v0+s3+$0x0], $0xffff  }
0x80: {  	v0 =	vld [tilespmem:s1+$0x70]  }
0x81: {  	[tilespmem:s2+$0xB0] =	vst v3;
	v6 =	vld.idx.msk [tilespmem:v1+s3+$0x0], $0xffff  }
0x82: {  	[tilespmem:s2+$0xFFFFFFB0] =	vst v5;
	v5 =	vld [tilespmem:s0+$0xC0]  }
0x83: {  	v1 =	vld.idx.msk [tilespmem:v4+s3+$0x0], $0xffff  }
0x84: {  	[tilespmem:s2+$0x30] =	vst v2;
	v2 =	vld.idx.msk [tilespmem:v9+s3+$0x0], $0xffff  }
0x85: {  	v3 =	vld [tilespmem:s0+$0xFFFFFFC0]  }
0x86: {  	s15 =	simm.s32 $0x4;
	s16 =	simm.s32 $0x580;
	s1 =	simm.s32 $0x6780;
	v4 =	vld [tilespmem:s0+$0x40];
	[tilespmem:s31+$0xF0] =	vst v8  }
.LBB2_2:
0x87: {  	v7 =	vld [tilespmem:s16+$0x80];
	s15 =	sadd.s32 $0x4, s15;
	[tilespmem:s2+$0xFFFFFF30] =	vst v6  }
0x88: {  	v6 =	vld [tilespmem:s16+$0xFFFFFF80];
	p0 =	slt.u32 s15, $0x34;
	[tilespmem:s31+$0xFFFFFF70] =	vst v1  }
0x89: {  	v1 =	vld [tilespmem:s16+$0x0]  }
0x8a: {  	v8 =	vld [tilespmem:s16+$0xFFFFFF00]  }
0x8b: {  	v5 =	vld.idx.msk [tilespmem:v5+s3+$0x0], $0xffff  }
0x8c: {  	v9 =	vld [tilespmem:s0+$0xFFFFFF40];
	[tilespmem:s31+$0xFFFFFFF0] =	vst v2  }
0x8d: {  	v2 =	vld.idx.msk [tilespmem:v3+s3+$0x0], $0xffff  }
0x8e: {  	v3 =	vld.idx.msk [tilespmem:v4+s3+$0x0], $0xffff  }
0x8f: {  	v4 =	vld.idx.msk [tilespmem:v7+s3+$0x0], $0xffff  }
0x90: {  	v6 =	vld.idx.msk [tilespmem:v6+s3+$0x0], $0xffff  }
0x91: {  	v1 =	vld.idx.msk [tilespmem:v1+s3+$0x0], $0xffff;
	[tilespmem:s2+$0xC0] =	vst v5  }
0x92: {  	v5 =	vld [tilespmem:s0+$0xD0]  }
0x93: {  	v7 =	vld.idx.msk [tilespmem:v8+s3+$0x0], $0xffff;
	[tilespmem:s2+$0xFFFFFFC0] =	vst v2  }
0x94: {  	s2 =	sadd.s32 $0x200, s2;
	v2 =	vld.idx.msk [tilespmem:v9+s3+$0x0], $0xffff;
	[tilespmem:s1+$0x40] =	vst v3  }
0x95: {  	[tilespmem:s2+$0x80] =	vst v4;
	v3 =	vld [tilespmem:s0+$0xFFFFFFD0]  }
0x96: {  	[tilespmem:s2+$0xFFFFFF80] =	vst v6;
	v4 =	vld [tilespmem:s16+$0x90]  }
0x97: {  	v6 =	vld [tilespmem:s16+$0xFFFFFF90];
	[tilespmem:s2+$0x0] =	vst v1  }
0x98: {  	v1 =	vld [tilespmem:s16+$0x10]  }
0x99: {  	[tilespmem:s2+$0xFFFFFF00] =	vst v7;
	v7 =	vld [tilespmem:s0+$0x50]  }
0x9a: {  	[tilespmem:s1+$0xFFFFFF40] =	vst v2;
	v2 =	vld.idx.msk [tilespmem:v5+s3+$0x0], $0xffff  }
0x9b: {  	v5 =	vld [tilespmem:s16+$0xFFFFFF10]  }
0x9c: {  	v8 =	vld [tilespmem:s0+$0xFFFFFF50]  }
0x9d: {  	v3 =	vld.idx.msk [tilespmem:v3+s3+$0x0], $0xffff  }
0x9e: {  	v4 =	vld.idx.msk [tilespmem:v4+s3+$0x0], $0xffff  }
0x9f: {  	v6 =	vld.idx.msk [tilespmem:v6+s3+$0x0], $0xffff  }
0xa0: {  	v1 =	vld.idx.msk [tilespmem:v1+s3+$0x0], $0xffff;
	[tilespmem:s1+$0xD0] =	vst v2  }
0xa1: {  	v2 =	vld [tilespmem:s0+$0xE0]  }
0xa2: {  	v7 =	vld.idx.msk [tilespmem:v7+s3+$0x0], $0xffff  }
0xa3: {  	v5 =	vld.idx.msk [tilespmem:v5+s3+$0x0], $0xffff;
	[tilespmem:s1+$0xFFFFFFD0] =	vst v3  }
0xa4: {  	[tilespmem:s2+$0x90] =	vst v4;
	v3 =	vld.idx.msk [tilespmem:v8+s3+$0x0], $0xffff  }
0xa5: {  	[tilespmem:s2+$0xFFFFFF90] =	vst v6;
	v4 =	vld [tilespmem:s16+$0xA0]  }
0xa6: {  	v6 =	vld [tilespmem:s16+$0xFFFFFFA0];
	[tilespmem:s2+$0x10] =	vst v1  }
0xa7: {  	v1 =	vld [tilespmem:s16+$0x20]  }
0xa8: {  	v8 =	vld [tilespmem:s0+$0xFFFFFFE0];
	[tilespmem:s1+$0x50] =	vst v7  }
0xa9: {  	[tilespmem:s2+$0xFFFFFF10] =	vst v5;
	v2 =	vld.idx.msk [tilespmem:v2+s3+$0x0], $0xffff  }
0xaa: {  	v5 =	vld [tilespmem:s16+$0xFFFFFF20];
	[tilespmem:s1+$0xFFFFFF50] =	vst v3  }
0xab: {  	v3 =	vld [tilespmem:s0+$0xFFFFFF60]  }
0xac: {  	v7 =	vld [tilespmem:s0+$0x60]  }
0xad: {  	v4 =	vld.idx.msk [tilespmem:v4+s3+$0x0], $0xffff  }
0xae: {  	v6 =	vld.idx.msk [tilespmem:v6+s3+$0x0], $0xffff  }
0xaf: {  	v1 =	vld.idx.msk [tilespmem:v1+s3+$0x0], $0xffff;
	[tilespmem:s1+$0xE0] =	vst v2  }
0xb0: {  	v2 =	vld [tilespmem:s0+$0xF0]  }
0xb1: {  	v8 =	vld.idx.msk [tilespmem:v8+s3+$0x0], $0xffff  }
0xb2: {  	v5 =	vld.idx.msk [tilespmem:v5+s3+$0x0], $0xffff  }
0xb3: {  	[tilespmem:s2+$0xA0] =	vst v4;
	v3 =	vld.idx.msk [tilespmem:v3+s3+$0x0], $0xffff  }
0xb4: {  	[tilespmem:s2+$0xFFFFFFA0] =	vst v6;
	v4 =	vld [tilespmem:s16+$0xB0]  }
0xb5: {  	v6 =	vld [tilespmem:s16+$0xFFFFFFB0];
	[tilespmem:s2+$0x20] =	vst v1  }
0xb6: {  	v1 =	vld [tilespmem:s16+$0x30]  }
0xb7: {  	[tilespmem:s1+$0xFFFFFFE0] =	vst v8;
	v7 =	vld.idx.msk [tilespmem:v7+s3+$0x0], $0xffff  }
0xb8: {  	[tilespmem:s2+$0xFFFFFF20] =	vst v5;
	v2 =	vld.idx.msk [tilespmem:v2+s3+$0x0], $0xffff  }
0xb9: {  	v5 =	vld [tilespmem:s16+$0xFFFFFF30];
	[tilespmem:s1+$0xFFFFFF60] =	vst v3  }
0xba: {  	v3 =	vld [tilespmem:s0+$0xFFFFFF70]  }
0xbb: {  	v8 =	vld [tilespmem:s0+$0xFFFFFFF0]  }
0xbc: {  	v4 =	vld.idx.msk [tilespmem:v4+s3+$0x0], $0xffff  }
0xbd: {  	v9 =	vld.idx.msk [tilespmem:v6+s3+$0x0], $0xffff;
	[tilespmem:s1+$0x60] =	vst v7  }
0xbe: {  	v7 =	vld.idx.msk [tilespmem:v1+s3+$0x0], $0xffff;
	[tilespmem:s1+$0xF0] =	vst v2  }
0xbf: {  	v2 =	vld [tilespmem:s0+$0x70];
	s0 =	smov.u32 s16  }
0xc0: {  	v10 =	vld.idx.msk [tilespmem:v0+s3+$0x0], $0xffff  }
0xc1: {  	v6 =	vld.idx.msk [tilespmem:v5+s3+$0x0], $0xffff  }
.Ltmp0:
0xc2: {  	[tilespmem:s2+$0xB0] =	vst v4;
	v1 =	vld.idx.msk [tilespmem:v3+s3+$0x0], $0xffff;
	(pc) =	sbr.rel @p0 .LBB2_2-.Ltmp0, $4  }
0xc3: {  	[tilespmem:s2+$0xFFFFFFB0] =	vst v9;
	v5 =	vld [tilespmem:s16+$0xC0]  }
0xc4: {  	v3 =	vld [tilespmem:s16+$0xFFFFFFC0];
	[tilespmem:s2+$0x30] =	vst v7;
	v0 =	vmov v2  }
0xc5: {  	v4 =	vld [tilespmem:s16+$0x40]  }
0xc6: {  	s16 =	sadd.s32 $0x200, s16;
	v2 =	vld.idx.msk [tilespmem:v8+s3+$0x0], $0xffff;
	[tilespmem:s31+$0x70] =	vst v10;
	s31 =	smov.u32 s1;
	s1 =	smov.u32 s2  }
0xc7: {  	[tilespmem:s2+$0xFFFFFF30] =	vst v6  }
0xc8: {  	v6 =	vld [tilespmem:s0+$0xFFFFFF40];
	_ =	sdelay $0x4  }
0xc9: {  	v5 =	vld.idx.msk [tilespmem:v5+s3+$0x0], $0xffff  }
0xca: {  	v3 =	vld.idx.msk [tilespmem:v3+s3+$0x0], $0xffff  }
0xcb: {  	v4 =	vld.idx.msk [tilespmem:v4+s3+$0x0], $0xffff  }
0xcc: {  	v6 =	vld.idx.msk [tilespmem:v6+s3+$0x0], $0xffff;
	_ =	sdelay $0x1  }
0xcd: {  	[tilespmem:s2+$0xC0] =	vst v5  }
0xce: {  	v5 =	vld [tilespmem:s0+$0xD0];
	[tilespmem:s2+$0xFFFFFFC0] =	vst v3  }
0xcf: {  	[tilespmem:s1+$0x40] =	vst v4;
	v4 =	vld [tilespmem:s0+$0xFFFFFFD0]  }
0xd0: {  	[tilespmem:s1+$0xFFFFFF40] =	vst v6;
	v6 =	vld [tilespmem:s0+$0x50]  }
0xd1: {  	v3 =	vld [tilespmem:s0+$0xFFFFFF50];
	_ =	sdelay $0x4  }
0xd2: {  	v5 =	vld.idx.msk [tilespmem:v5+s3+$0x0], $0xffff  }
0xd3: {  	v4 =	vld.idx.msk [tilespmem:v4+s3+$0x0], $0xffff  }
0xd4: {  	v6 =	vld.idx.msk [tilespmem:v6+s3+$0x0], $0xffff  }
0xd5: {  	v3 =	vld.idx.msk [tilespmem:v3+s3+$0x0], $0xffff;
	_ =	sdelay $0x1  }
0xd6: {  	[tilespmem:s1+$0xD0] =	vst v5  }
0xd7: {  	v5 =	vld [tilespmem:s0+$0xE0];
	[tilespmem:s1+$0xFFFFFFD0] =	vst v4  }
0xd8: {  	v4 =	vld [tilespmem:s0+$0xFFFFFFE0];
	[tilespmem:s1+$0x50] =	vst v6  }
0xd9: {  	[tilespmem:s1+$0xFFFFFF50] =	vst v3;
	v6 =	vld [tilespmem:s0+$0x60]  }
0xda: {  	v3 =	vld [tilespmem:s0+$0xFFFFFF60];
	_ =	sdelay $0x4  }
0xdb: {  	v5 =	vld.idx.msk [tilespmem:v5+s3+$0x0], $0xffff  }
0xdc: {  	v4 =	vld.idx.msk [tilespmem:v4+s3+$0x0], $0xffff  }
0xdd: {  	v6 =	vld.idx.msk [tilespmem:v6+s3+$0x0], $0xffff  }
0xde: {  	v3 =	vld.idx.msk [tilespmem:v3+s3+$0x0], $0xffff;
	_ =	sdelay $0x1  }
0xdf: {  	[tilespmem:s1+$0xE0] =	vst v5  }
0xe0: {  	v5 =	vld [tilespmem:s0+$0xF0];
	[tilespmem:s1+$0xFFFFFFE0] =	vst v4  }
0xe1: {  	v4 =	vld [tilespmem:s0+$0xFFFFFFF0];
	[tilespmem:s1+$0x60] =	vst v6  }
0xe2: {  	[tilespmem:s1+$0xFFFFFF60] =	vst v3;
	v6 =	vld [tilespmem:s0+$0x70]  }
0xe3: {  	v3 =	vld [tilespmem:s0+$0xFFFFFF70];
	_ =	sdelay $0x3  }
0xe4: {  	v0 =	vld.idx.msk [tilespmem:v0+s3+$0x0], $0xffff  }
0xe5: {  	v5 =	vld.idx.msk [tilespmem:v5+s3+$0x0], $0xffff  }
0xe6: {  	[tilespmem:s31+$0xFFFFFF70] =	vst v1;
	v1 =	vld.idx.msk [tilespmem:v4+s3+$0x0], $0xffff  }
0xe7: {  	[tilespmem:s31+$0xFFFFFFF0] =	vst v2;
	v2 =	vld.idx.msk [tilespmem:v6+s3+$0x0], $0xffff  }
0xe8: {  	v3 =	vld.idx.msk [tilespmem:v3+s3+$0x0], $0xffff  }
0xe9: {  	[tilespmem:s31+$0x70] =	vst v0  }
0xea: {  	[tilespmem:s1+$0xF0] =	vst v5  }
0xeb: {  	[tilespmem:s1+$0xFFFFFFF0] =	vst v1  }
0xec: {  	[tilespmem:s1+$0x70] =	vst v2  }
0xed: {  	[tilespmem:s1+$0xFFFFFF70] =	vst v3  }
0xee: {  	[hbm4b:s8+s13] =	stream.strided.scatter [tilespmem:s21], [sflag:$0x5], $0x1C00, s14, s13, $0x38;
	[tilespmem:$0xC880] =	vst v63  }
0xef: {  	_ =	swait.ge [sflag:s22], $0x1C00  }
0xf0: {  	[sflag:s22] =	ssyncset.done $0x0  }
0xf1: {  	s16 =	simm.s32 $0x1E70;
	[sflag:s22] =	ssyncadd.s32 $0xFFFFE400  }
0xf2: {  	v0 =	vld [tilespmem:s16+$0xFFFFFF90]  }
0xf3: {  	v1 =	vld [tilespmem:s16+$0xFFFFFE90]  }
0xf4: {  	v2 =	vld [tilespmem:s16+$0xFFFFFF10];
	_ =	sdelay $0x2  }
0xf5: {  	v3 =	vld [tilespmem:s16+$0xFFFFFE10];
	_ =	sdelay $0x2  }
0xf6: {  	v0 =	vld.idx.msk [tilespmem:v0+s3+$0x0], $0xffff  }
0xf7: {  	v1 =	vld.idx.msk [tilespmem:v1+s3+$0x0], $0xffff  }
0xf8: {  	v2 =	vld.idx.msk [tilespmem:v2+s3+$0x0], $0xffff;
	_ =	sdelay $0x1  }
0xf9: {  	s31 =	simm.s32 $0x8270  }
0xfa: {  	v3 =	vld.idx.msk [tilespmem:v3+s3+$0x0], $0xffff;
	[tilespmem:s31+$0xFFFFFF90] =	vst v0  }
0xfb: {  	[tilespmem:s31+$0xFFFFFE90] =	vst v1;
	v0 =	vld [tilespmem:s16+$0xFFFFFFA0]  }
0xfc: {  	[tilespmem:s31+$0xFFFFFF10] =	vst v2;
	v1 =	vld [tilespmem:s16+$0xFFFFFEA0]  }
0xfd: {  	v2 =	vld [tilespmem:s16+$0xFFFFFF20];
	_ =	sdelay $0x1  }
0xfe: {  	[tilespmem:s31+$0xFFFFFE10] =	vst v3  }
0xff: {  	v3 =	vld [tilespmem:s16+$0xFFFFFE20];
	_ =	sdelay $0x2  }
0x100: {  	v0 =	vld.idx.msk [tilespmem:v0+s3+$0x0], $0xffff  }
0x101: {  	v1 =	vld.idx.msk [tilespmem:v1+s3+$0x0], $0xffff  }
0x102: {  	v2 =	vld.idx.msk [tilespmem:v2+s3+$0x0], $0xffff;
	_ =	sdelay $0x2  }
0x103: {  	v3 =	vld.idx.msk [tilespmem:v3+s3+$0x0], $0xffff;
	[tilespmem:s31+$0xFFFFFFA0] =	vst v0  }
0x104: {  	[tilespmem:s31+$0xFFFFFEA0] =	vst v1;
	v0 =	vld [tilespmem:s16+$0xFFFFFFB0]  }
0x105: {  	[tilespmem:s31+$0xFFFFFF20] =	vst v2;
	v1 =	vld [tilespmem:s16+$0xFFFFFEB0]  }
0x106: {  	v2 =	vld [tilespmem:s16+$0xFFFFFF30];
	_ =	sdelay $0x1  }
0x107: {  	[tilespmem:s31+$0xFFFFFE20] =	vst v3  }
0x108: {  	v3 =	vld [tilespmem:s16+$0xFFFFFE30]  }
0x109: {  	s0 =	simm.s32 $0x2070  }
0x10a: {  	v4 =	vld [tilespmem:s0+$0xFFFFFF90]  }
0x10b: {  	v0 =	vld.idx.msk [tilespmem:v0+s3+$0x0], $0xffff  }
0x10c: {  	v1 =	vld.idx.msk [tilespmem:v1+s3+$0x0], $0xffff  }
0x10d: {  	v2 =	vld.idx.msk [tilespmem:v2+s3+$0x0], $0xffff;
	_ =	sdelay $0x1  }
0x10e: {  	v5 =	vld [tilespmem:s0+$0xFFFFFE90]  }
0x10f: {  	v3 =	vld.idx.msk [tilespmem:v3+s3+$0x0], $0xffff;
	[tilespmem:s31+$0xFFFFFFB0] =	vst v0  }
0x110: {  	[tilespmem:s31+$0xFFFFFEB0] =	vst v1;
	v0 =	vld [tilespmem:s16+$0xFFFFFFC0]  }
0x111: {  	[tilespmem:s31+$0xFFFFFF30] =	vst v2;
	v1 =	vld [tilespmem:s16+$0xFFFFFEC0]  }
0x112: {  	v2 =	vld [tilespmem:s16+$0xFFFFFF40];
	_ =	sdelay $0x1  }
0x113: {  	v4 =	vld.idx.msk [tilespmem:v4+s3+$0x0], $0xffff;
	[tilespmem:s31+$0xFFFFFE30] =	vst v3  }
0x114: {  	v3 =	vld [tilespmem:s16+$0xFFFFFE40]  }
0x115: {  	v5 =	vld.idx.msk [tilespmem:v5+s3+$0x0], $0xffff  }
0x116: {  	v6 =	vld [tilespmem:s0+$0xFFFFFF10]  }
0x117: {  	v0 =	vld.idx.msk [tilespmem:v0+s3+$0x0], $0xffff  }
0x118: {  	s2 =	simm.s32 $0x8470;
	v1 =	vld.idx.msk [tilespmem:v1+s3+$0x0], $0xffff  }
0x119: {  	[tilespmem:s2+$0xFFFFFF90] =	vst v4;
	v2 =	vld.idx.msk [tilespmem:v2+s3+$0x0], $0xffff  }
0x11a: {  	[tilespmem:s2+$0xFFFFFE90] =	vst v5;
	v4 =	vld [tilespmem:s0+$0xFFFFFFA0]  }
0x11b: {  	v5 =	vld [tilespmem:s0+$0xFFFFFEA0]  }
0x11c: {  	v3 =	vld.idx.msk [tilespmem:v3+s3+$0x0], $0xffff;
	[tilespmem:s31+$0xFFFFFFC0] =	vst v0  }
0x11d: {  	[tilespmem:s31+$0xFFFFFEC0] =	vst v1;
	v0 =	vld [tilespmem:s16+$0xFFFFFFD0]  }
0x11e: {  	[tilespmem:s31+$0xFFFFFF40] =	vst v2;
	v1 =	vld [tilespmem:s16+$0xFFFFFED0]  }
0x11f: {  	v2 =	vld [tilespmem:s16+$0xFFFFFF50]  }
0x120: {  	v7 =	vld [tilespmem:s0+$0xFFFFFE10]  }
0x121: {  	v6 =	vld.idx.msk [tilespmem:v6+s3+$0x0], $0xffff  }
0x122: {  	v4 =	vld.idx.msk [tilespmem:v4+s3+$0x0], $0xffff;
	[tilespmem:s31+$0xFFFFFE40] =	vst v3  }
0x123: {  	v3 =	vld [tilespmem:s16+$0xFFFFFE50]  }
0x124: {  	v5 =	vld.idx.msk [tilespmem:v5+s3+$0x0], $0xffff  }
0x125: {  	v0 =	vld.idx.msk [tilespmem:v0+s3+$0x0], $0xffff  }
0x126: {  	v1 =	vld.idx.msk [tilespmem:v1+s3+$0x0], $0xffff  }
0x127: {  	[tilespmem:s2+$0xFFFFFF10] =	vst v6;
	v2 =	vld.idx.msk [tilespmem:v2+s3+$0x0], $0xffff  }
0x128: {  	[tilespmem:s2+$0xFFFFFFA0] =	vst v4  }
0x129: {  	v7 =	vld.idx.msk [tilespmem:v7+s3+$0x0], $0xffff;
	[tilespmem:s2+$0xFFFFFEA0] =	vst v5  }
0x12a: {  	v5 =	vld [tilespmem:s0+$0xFFFFFFB0];
	[tilespmem:s31+$0xFFFFFFD0] =	vst v0  }
0x12b: {  	[tilespmem:s31+$0xFFFFFED0] =	vst v1;
	v1 =	vld.idx.msk [tilespmem:v3+s3+$0x0], $0xffff  }
0x12c: {  	[tilespmem:s31+$0xFFFFFF50] =	vst v2;
	v2 =	vld [tilespmem:s0+$0xFFFFFF20]  }
0x12d: {  	v0 =	vld [tilespmem:s16+$0xFFFFFFE0]  }
0x12e: {  	v3 =	vld [tilespmem:s16+$0xFFFFFEE0]  }
0x12f: {  	[tilespmem:s2+$0xFFFFFE10] =	vst v7;
	v6 =	vld [tilespmem:s16+$0xFFFFFF60]  }
0x130: {  	[tilespmem:s31+$0xFFFFFE50] =	vst v1;
	v1 =	vld [tilespmem:s0+$0xFFFFFE20]  }
0x131: {  	v7 =	vld [tilespmem:s16+$0xFFFFFE60];
	_ =	sdelay $0x1  }
0x132: {  	v5 =	vld.idx.msk [tilespmem:v5+s3+$0x0], $0xffff  }
0x133: {  	v2 =	vld.idx.msk [tilespmem:v2+s3+$0x0], $0xffff  }
0x134: {  	v0 =	vld.idx.msk [tilespmem:v0+s3+$0x0], $0xffff  }
0x135: {  	v3 =	vld.idx.msk [tilespmem:v3+s3+$0x0], $0xffff  }
0x136: {  	v6 =	vld.idx.msk [tilespmem:v6+s3+$0x0], $0xffff  }
0x137: {  	v1 =	vld.idx.msk [tilespmem:v1+s3+$0x0], $0xffff  }
0x138: {  	v4 =	vld.idx.msk [tilespmem:v7+s3+$0x0], $0xffff  }
0x139: {  	[tilespmem:s2+$0xFFFFFF20] =	vst v2;
	v7 =	vld [tilespmem:s0+$0xFFFFFEB0]  }
0x13a: {  	[tilespmem:s31+$0xFFFFFFE0] =	vst v0;
	v2 =	vld [tilespmem:s0+$0xFFFFFF30]  }
0x13b: {  	[tilespmem:s31+$0xFFFFFEE0] =	vst v3;
	v0 =	vld [tilespmem:s16+$0xFFFFFFF0]  }
0x13c: {  	v3 =	vld [tilespmem:s16+$0xFFFFFEF0];
	[tilespmem:s2+$0xFFFFFE20] =	vst v1  }
0x13d: {  	v1 =	vld [tilespmem:s0+$0xFFFFFE30];
	[tilespmem:s31+$0xFFFFFE60] =	vst v4  }
0x13e: {  	[tilespmem:s2+$0xFFFFFFB0] =	vst v5;
	v4 =	vld [tilespmem:s16+$0xFFFFFE70]  }
0x13f: {  	v5 =	vld [tilespmem:s0+$0xFFFFFFC0];
	[tilespmem:s31+$0xFFFFFF60] =	vst v6  }
0x140: {  	v6 =	vld [tilespmem:s16+$0xFFFFFF70]  }
0x141: {  	v7 =	vld.idx.msk [tilespmem:v7+s3+$0x0], $0xffff  }
0x142: {  	v2 =	vld.idx.msk [tilespmem:v2+s3+$0x0], $0xffff  }
0x143: {  	v0 =	vld.idx.msk [tilespmem:v0+s3+$0x0], $0xffff  }
0x144: {  	v3 =	vld.idx.msk [tilespmem:v3+s3+$0x0], $0xffff  }
0x145: {  	v1 =	vld.idx.msk [tilespmem:v1+s3+$0x0], $0xffff  }
0x146: {  	[tilespmem:s2+$0xFFFFFEB0] =	vst v7;
	v4 =	vld.idx.msk [tilespmem:v4+s3+$0x0], $0xffff  }
0x147: {  	[tilespmem:s2+$0xFFFFFF30] =	vst v2;
	v7 =	vld [tilespmem:s0+$0xFFFFFEC0]  }
0x148: {  	[tilespmem:s31+$0xFFFFFFF0] =	vst v0;
	v2 =	vld [tilespmem:s0+$0xFFFFFF40]  }
0x149: {  	v0 =	vld [tilespmem:s16+$0x0]  }
0x14a: {  	v6 =	vld.idx.msk [tilespmem:v6+s3+$0x0], $0xffff;
	[tilespmem:s2+$0xFFFFFE30] =	vst v1  }
0x14b: {  	[tilespmem:s31+$0xFFFFFEF0] =	vst v3;
	v1 =	vld [tilespmem:s0+$0xFFFFFE40]  }
0x14c: {  	v3 =	vld.idx.msk [tilespmem:v5+s3+$0x0], $0xffff;
	[tilespmem:s31+$0xFFFFFE70] =	vst v4  }
0x14d: {  	v4 =	vld [tilespmem:s16+$0xFFFFFE80]  }
0x14e: {  	v9 =	vld [tilespmem:s16+$0xFFFFFF00]  }
0x14f: {  	v5 =	vld.idx.msk [tilespmem:v7+s3+$0x0], $0xffff  }
0x150: {  	v2 =	vld.idx.msk [tilespmem:v2+s3+$0x0], $0xffff  }
0x151: {  	[tilespmem:s31+$0xFFFFFF70] =	vst v6;
	v8 =	vld.idx.msk [tilespmem:v0+s3+$0x0], $0xffff  }
0x152: {  	v0 =	vld [tilespmem:s16+$0xFFFFFF80]  }
0x153: {  	[tilespmem:s2+$0xFFFFFFC0] =	vst v3;
	v6 =	vld.idx.msk [tilespmem:v1+s3+$0x0], $0xffff  }
0x154: {  	[tilespmem:s2+$0xFFFFFEC0] =	vst v5;
	v5 =	vld [tilespmem:s0+$0xFFFFFFD0]  }
0x155: {  	v1 =	vld.idx.msk [tilespmem:v4+s3+$0x0], $0xffff  }
0x156: {  	[tilespmem:s2+$0xFFFFFF40] =	vst v2;
	v2 =	vld.idx.msk [tilespmem:v9+s3+$0x0], $0xffff  }
0x157: {  	v3 =	vld [tilespmem:s0+$0xFFFFFED0]  }
0x158: {  	s15 =	simm.s32 $0x3C;
	s1 =	simm.s32 $0x8470;
	s16 =	simm.s32 $0x2270;
	v4 =	vld [tilespmem:s0+$0xFFFFFF50];
	[tilespmem:s31+$0x0] =	vst v8  }
.LBB2_4:
0x159: {  	v7 =	vld [tilespmem:s16+$0xFFFFFF90];
	s15 =	sadd.s32 $0x4, s15;
	[tilespmem:s2+$0xFFFFFE40] =	vst v6  }
0x15a: {  	v6 =	vld [tilespmem:s16+$0xFFFFFE90];
	p0 =	slt.u32 s15, $0x6C;
	[tilespmem:s31+$0xFFFFFE80] =	vst v1  }
0x15b: {  	v1 =	vld [tilespmem:s16+$0xFFFFFF10]  }
0x15c: {  	v8 =	vld [tilespmem:s16+$0xFFFFFE10]  }
0x15d: {  	v5 =	vld.idx.msk [tilespmem:v5+s3+$0x0], $0xffff  }
0x15e: {  	v9 =	vld [tilespmem:s0+$0xFFFFFE50];
	[tilespmem:s31+$0xFFFFFF00] =	vst v2  }
0x15f: {  	v2 =	vld.idx.msk [tilespmem:v3+s3+$0x0], $0xffff  }
0x160: {  	v3 =	vld.idx.msk [tilespmem:v4+s3+$0x0], $0xffff  }
0x161: {  	v4 =	vld.idx.msk [tilespmem:v7+s3+$0x0], $0xffff  }
0x162: {  	v6 =	vld.idx.msk [tilespmem:v6+s3+$0x0], $0xffff  }
0x163: {  	v1 =	vld.idx.msk [tilespmem:v1+s3+$0x0], $0xffff;
	[tilespmem:s2+$0xFFFFFFD0] =	vst v5  }
0x164: {  	v5 =	vld [tilespmem:s0+$0xFFFFFFE0]  }
0x165: {  	v7 =	vld.idx.msk [tilespmem:v8+s3+$0x0], $0xffff;
	[tilespmem:s2+$0xFFFFFED0] =	vst v2  }
0x166: {  	s2 =	sadd.s32 $0x200, s2;
	v2 =	vld.idx.msk [tilespmem:v9+s3+$0x0], $0xffff;
	[tilespmem:s1+$0xFFFFFF50] =	vst v3  }
0x167: {  	[tilespmem:s2+$0xFFFFFF90] =	vst v4;
	v3 =	vld [tilespmem:s0+$0xFFFFFEE0]  }
0x168: {  	[tilespmem:s2+$0xFFFFFE90] =	vst v6;
	v4 =	vld [tilespmem:s16+$0xFFFFFFA0]  }
0x169: {  	v6 =	vld [tilespmem:s16+$0xFFFFFEA0];
	[tilespmem:s2+$0xFFFFFF10] =	vst v1  }
0x16a: {  	v1 =	vld [tilespmem:s16+$0xFFFFFF20]  }
0x16b: {  	[tilespmem:s2+$0xFFFFFE10] =	vst v7;
	v7 =	vld [tilespmem:s0+$0xFFFFFF60]  }
0x16c: {  	[tilespmem:s1+$0xFFFFFE50] =	vst v2;
	v2 =	vld.idx.msk [tilespmem:v5+s3+$0x0], $0xffff  }
0x16d: {  	v5 =	vld [tilespmem:s16+$0xFFFFFE20]  }
0x16e: {  	v8 =	vld [tilespmem:s0+$0xFFFFFE60]  }
0x16f: {  	v3 =	vld.idx.msk [tilespmem:v3+s3+$0x0], $0xffff  }
0x170: {  	v4 =	vld.idx.msk [tilespmem:v4+s3+$0x0], $0xffff  }
0x171: {  	v6 =	vld.idx.msk [tilespmem:v6+s3+$0x0], $0xffff  }
0x172: {  	v1 =	vld.idx.msk [tilespmem:v1+s3+$0x0], $0xffff;
	[tilespmem:s1+$0xFFFFFFE0] =	vst v2  }
0x173: {  	v2 =	vld [tilespmem:s0+$0xFFFFFFF0]  }
0x174: {  	v7 =	vld.idx.msk [tilespmem:v7+s3+$0x0], $0xffff  }
0x175: {  	v5 =	vld.idx.msk [tilespmem:v5+s3+$0x0], $0xffff;
	[tilespmem:s1+$0xFFFFFEE0] =	vst v3  }
0x176: {  	[tilespmem:s2+$0xFFFFFFA0] =	vst v4;
	v3 =	vld.idx.msk [tilespmem:v8+s3+$0x0], $0xffff  }
0x177: {  	[tilespmem:s2+$0xFFFFFEA0] =	vst v6;
	v4 =	vld [tilespmem:s16+$0xFFFFFFB0]  }
0x178: {  	v6 =	vld [tilespmem:s16+$0xFFFFFEB0];
	[tilespmem:s2+$0xFFFFFF20] =	vst v1  }
0x179: {  	v1 =	vld [tilespmem:s16+$0xFFFFFF30]  }
0x17a: {  	v8 =	vld [tilespmem:s0+$0xFFFFFEF0];
	[tilespmem:s1+$0xFFFFFF60] =	vst v7  }
0x17b: {  	[tilespmem:s2+$0xFFFFFE20] =	vst v5;
	v2 =	vld.idx.msk [tilespmem:v2+s3+$0x0], $0xffff  }
0x17c: {  	v5 =	vld [tilespmem:s16+$0xFFFFFE30];
	[tilespmem:s1+$0xFFFFFE60] =	vst v3  }
0x17d: {  	v3 =	vld [tilespmem:s0+$0xFFFFFE70]  }
0x17e: {  	v7 =	vld [tilespmem:s0+$0xFFFFFF70]  }
0x17f: {  	v4 =	vld.idx.msk [tilespmem:v4+s3+$0x0], $0xffff  }
0x180: {  	v6 =	vld.idx.msk [tilespmem:v6+s3+$0x0], $0xffff  }
0x181: {  	v1 =	vld.idx.msk [tilespmem:v1+s3+$0x0], $0xffff;
	[tilespmem:s1+$0xFFFFFFF0] =	vst v2  }
0x182: {  	v2 =	vld [tilespmem:s0+$0x0]  }
0x183: {  	v8 =	vld.idx.msk [tilespmem:v8+s3+$0x0], $0xffff  }
0x184: {  	v5 =	vld.idx.msk [tilespmem:v5+s3+$0x0], $0xffff  }
0x185: {  	[tilespmem:s2+$0xFFFFFFB0] =	vst v4;
	v3 =	vld.idx.msk [tilespmem:v3+s3+$0x0], $0xffff  }
0x186: {  	[tilespmem:s2+$0xFFFFFEB0] =	vst v6;
	v4 =	vld [tilespmem:s16+$0xFFFFFFC0]  }
0x187: {  	v6 =	vld [tilespmem:s16+$0xFFFFFEC0];
	[tilespmem:s2+$0xFFFFFF30] =	vst v1  }
0x188: {  	v1 =	vld [tilespmem:s16+$0xFFFFFF40]  }
0x189: {  	[tilespmem:s1+$0xFFFFFEF0] =	vst v8;
	v7 =	vld.idx.msk [tilespmem:v7+s3+$0x0], $0xffff  }
0x18a: {  	[tilespmem:s2+$0xFFFFFE30] =	vst v5;
	v2 =	vld.idx.msk [tilespmem:v2+s3+$0x0], $0xffff  }
0x18b: {  	v5 =	vld [tilespmem:s16+$0xFFFFFE40];
	[tilespmem:s1+$0xFFFFFE70] =	vst v3  }
0x18c: {  	v3 =	vld [tilespmem:s0+$0xFFFFFE80]  }
0x18d: {  	v8 =	vld [tilespmem:s0+$0xFFFFFF00]  }
0x18e: {  	v4 =	vld.idx.msk [tilespmem:v4+s3+$0x0], $0xffff  }
0x18f: {  	v9 =	vld.idx.msk [tilespmem:v6+s3+$0x0], $0xffff;
	[tilespmem:s1+$0xFFFFFF70] =	vst v7  }
0x190: {  	v7 =	vld.idx.msk [tilespmem:v1+s3+$0x0], $0xffff;
	[tilespmem:s1+$0x0] =	vst v2  }
0x191: {  	v2 =	vld [tilespmem:s0+$0xFFFFFF80];
	s0 =	smov.u32 s16  }
0x192: {  	v10 =	vld.idx.msk [tilespmem:v0+s3+$0x0], $0xffff  }
0x193: {  	v6 =	vld.idx.msk [tilespmem:v5+s3+$0x0], $0xffff  }
.Ltmp1:
0x194: {  	[tilespmem:s2+$0xFFFFFFC0] =	vst v4;
	v1 =	vld.idx.msk [tilespmem:v3+s3+$0x0], $0xffff;
	(pc) =	sbr.rel @p0 .LBB2_4-.Ltmp1, $4  }
0x195: {  	[tilespmem:s2+$0xFFFFFEC0] =	vst v9;
	v5 =	vld [tilespmem:s16+$0xFFFFFFD0]  }
0x196: {  	v3 =	vld [tilespmem:s16+$0xFFFFFED0];
	[tilespmem:s2+$0xFFFFFF40] =	vst v7;
	v0 =	vmov v2  }
0x197: {  	v4 =	vld [tilespmem:s16+$0xFFFFFF50]  }
0x198: {  	s16 =	sadd.s32 $0x200, s16;
	v2 =	vld.idx.msk [tilespmem:v8+s3+$0x0], $0xffff;
	[tilespmem:s31+$0xFFFFFF80] =	vst v10;
	s31 =	smov.u32 s1;
	s1 =	smov.u32 s2  }
0x199: {  	[tilespmem:s2+$0xFFFFFE40] =	vst v6  }
0x19a: {  	v6 =	vld [tilespmem:s0+$0xFFFFFE50];
	_ =	sdelay $0x4  }
0x19b: {  	v5 =	vld.idx.msk [tilespmem:v5+s3+$0x0], $0xffff  }
0x19c: {  	v3 =	vld.idx.msk [tilespmem:v3+s3+$0x0], $0xffff  }
0x19d: {  	v4 =	vld.idx.msk [tilespmem:v4+s3+$0x0], $0xffff  }
0x19e: {  	v6 =	vld.idx.msk [tilespmem:v6+s3+$0x0], $0xffff;
	_ =	sdelay $0x1  }
0x19f: {  	[tilespmem:s2+$0xFFFFFFD0] =	vst v5  }
0x1a0: {  	v5 =	vld [tilespmem:s0+$0xFFFFFFE0];
	[tilespmem:s2+$0xFFFFFED0] =	vst v3  }
0x1a1: {  	[tilespmem:s1+$0xFFFFFF50] =	vst v4;
	v4 =	vld [tilespmem:s0+$0xFFFFFEE0]  }
0x1a2: {  	[tilespmem:s1+$0xFFFFFE50] =	vst v6;
	v6 =	vld [tilespmem:s0+$0xFFFFFF60]  }
0x1a3: {  	v3 =	vld [tilespmem:s0+$0xFFFFFE60];
	_ =	sdelay $0x4  }
0x1a4: {  	v5 =	vld.idx.msk [tilespmem:v5+s3+$0x0], $0xffff  }
0x1a5: {  	v4 =	vld.idx.msk [tilespmem:v4+s3+$0x0], $0xffff  }
0x1a6: {  	v6 =	vld.idx.msk [tilespmem:v6+s3+$0x0], $0xffff  }
0x1a7: {  	v3 =	vld.idx.msk [tilespmem:v3+s3+$0x0], $0xffff;
	_ =	sdelay $0x1  }
0x1a8: {  	[tilespmem:s1+$0xFFFFFFE0] =	vst v5  }
0x1a9: {  	v5 =	vld [tilespmem:s0+$0xFFFFFFF0];
	[tilespmem:s1+$0xFFFFFEE0] =	vst v4  }
0x1aa: {  	v4 =	vld [tilespmem:s0+$0xFFFFFEF0];
	[tilespmem:s1+$0xFFFFFF60] =	vst v6  }
0x1ab: {  	[tilespmem:s1+$0xFFFFFE60] =	vst v3;
	v6 =	vld [tilespmem:s0+$0xFFFFFF70]  }
0x1ac: {  	v3 =	vld [tilespmem:s0+$0xFFFFFE70];
	_ =	sdelay $0x4  }
0x1ad: {  	v5 =	vld.idx.msk [tilespmem:v5+s3+$0x0], $0xffff  }
0x1ae: {  	v4 =	vld.idx.msk [tilespmem:v4+s3+$0x0], $0xffff  }
0x1af: {  	v6 =	vld.idx.msk [tilespmem:v6+s3+$0x0], $0xffff  }
0x1b0: {  	v3 =	vld.idx.msk [tilespmem:v3+s3+$0x0], $0xffff;
	_ =	sdelay $0x1  }
0x1b1: {  	[tilespmem:s1+$0xFFFFFFF0] =	vst v5  }
0x1b2: {  	v5 =	vld [tilespmem:s0+$0x0];
	[tilespmem:s1+$0xFFFFFEF0] =	vst v4  }
0x1b3: {  	v4 =	vld [tilespmem:s0+$0xFFFFFF00];
	[tilespmem:s1+$0xFFFFFF70] =	vst v6  }
0x1b4: {  	[tilespmem:s1+$0xFFFFFE70] =	vst v3;
	v6 =	vld [tilespmem:s0+$0xFFFFFF80]  }
0x1b5: {  	v3 =	vld [tilespmem:s0+$0xFFFFFE80];
	_ =	sdelay $0x3  }
0x1b6: {  	v0 =	vld.idx.msk [tilespmem:v0+s3+$0x0], $0xffff  }
0x1b7: {  	v5 =	vld.idx.msk [tilespmem:v5+s3+$0x0], $0xffff  }
0x1b8: {  	[tilespmem:s31+$0xFFFFFE80] =	vst v1;
	v1 =	vld.idx.msk [tilespmem:v4+s3+$0x0], $0xffff  }
0x1b9: {  	[tilespmem:s31+$0xFFFFFF00] =	vst v2;
	v2 =	vld.idx.msk [tilespmem:v6+s3+$0x0], $0xffff  }
0x1ba: {  	v3 =	vld.idx.msk [tilespmem:v3+s3+$0x0], $0xffff  }
0x1bb: {  	[tilespmem:s31+$0xFFFFFF80] =	vst v0  }
0x1bc: {  	[tilespmem:s1+$0x0] =	vst v5  }
0x1bd: {  	[tilespmem:s1+$0xFFFFFF00] =	vst v1  }
0x1be: {  	[tilespmem:s1+$0xFFFFFF80] =	vst v2  }
0x1bf: {  	[tilespmem:s1+$0xFFFFFE80] =	vst v3  }
0x1c0: {  	[hbm4b:s9+s13] =	stream.strided.scatter [tilespmem:s23], [sflag:$0x5], $0x1C00, s14, s13, $0x38;
	[tilespmem:$0xC880] =	vst v63  }
0x1c1: {  	_ =	swait.ge [sflag:s24], $0x1C00  }
0x1c2: {  	[sflag:s24] =	ssyncset.done $0x0  }
0x1c3: {  	s16 =	simm.s32 $0x3A70;
	[sflag:s24] =	ssyncadd.s32 $0xFFFFE400  }
0x1c4: {  	v0 =	vld [tilespmem:s16+$0xFFFFFF90]  }
0x1c5: {  	v1 =	vld [tilespmem:s16+$0xFFFFFE90]  }
0x1c6: {  	v2 =	vld [tilespmem:s16+$0xFFFFFF10];
	_ =	sdelay $0x2  }
0x1c7: {  	v3 =	vld [tilespmem:s16+$0xFFFFFE10];
	_ =	sdelay $0x2  }
0x1c8: {  	v0 =	vld.idx.msk [tilespmem:v0+s3+$0x0], $0xffff  }
0x1c9: {  	v1 =	vld.idx.msk [tilespmem:v1+s3+$0x0], $0xffff  }
0x1ca: {  	v2 =	vld.idx.msk [tilespmem:v2+s3+$0x0], $0xffff;
	_ =	sdelay $0x1  }
0x1cb: {  	s31 =	simm.s32 $0x9E70  }
0x1cc: {  	v3 =	vld.idx.msk [tilespmem:v3+s3+$0x0], $0xffff;
	[tilespmem:s31+$0xFFFFFF90] =	vst v0  }
0x1cd: {  	[tilespmem:s31+$0xFFFFFE90] =	vst v1;
	v0 =	vld [tilespmem:s16+$0xFFFFFFA0]  }
0x1ce: {  	[tilespmem:s31+$0xFFFFFF10] =	vst v2;
	v1 =	vld [tilespmem:s16+$0xFFFFFEA0]  }
0x1cf: {  	v2 =	vld [tilespmem:s16+$0xFFFFFF20];
	_ =	sdelay $0x1  }
0x1d0: {  	[tilespmem:s31+$0xFFFFFE10] =	vst v3  }
0x1d1: {  	v3 =	vld [tilespmem:s16+$0xFFFFFE20];
	_ =	sdelay $0x2  }
0x1d2: {  	v0 =	vld.idx.msk [tilespmem:v0+s3+$0x0], $0xffff  }
0x1d3: {  	v1 =	vld.idx.msk [tilespmem:v1+s3+$0x0], $0xffff  }
0x1d4: {  	v2 =	vld.idx.msk [tilespmem:v2+s3+$0x0], $0xffff;
	_ =	sdelay $0x2  }
0x1d5: {  	v3 =	vld.idx.msk [tilespmem:v3+s3+$0x0], $0xffff;
	[tilespmem:s31+$0xFFFFFFA0] =	vst v0  }
0x1d6: {  	[tilespmem:s31+$0xFFFFFEA0] =	vst v1;
	v0 =	vld [tilespmem:s16+$0xFFFFFFB0]  }
0x1d7: {  	[tilespmem:s31+$0xFFFFFF20] =	vst v2;
	v1 =	vld [tilespmem:s16+$0xFFFFFEB0]  }
0x1d8: {  	v2 =	vld [tilespmem:s16+$0xFFFFFF30];
	_ =	sdelay $0x1  }
0x1d9: {  	[tilespmem:s31+$0xFFFFFE20] =	vst v3  }
0x1da: {  	v3 =	vld [tilespmem:s16+$0xFFFFFE30]  }
0x1db: {  	s0 =	simm.s32 $0x3C70  }
0x1dc: {  	v4 =	vld [tilespmem:s0+$0xFFFFFF90]  }
0x1dd: {  	v0 =	vld.idx.msk [tilespmem:v0+s3+$0x0], $0xffff  }
0x1de: {  	v1 =	vld.idx.msk [tilespmem:v1+s3+$0x0], $0xffff  }
0x1df: {  	v2 =	vld.idx.msk [tilespmem:v2+s3+$0x0], $0xffff;
	_ =	sdelay $0x1  }
0x1e0: {  	v5 =	vld [tilespmem:s0+$0xFFFFFE90]  }
0x1e1: {  	v3 =	vld.idx.msk [tilespmem:v3+s3+$0x0], $0xffff;
	[tilespmem:s31+$0xFFFFFFB0] =	vst v0  }
0x1e2: {  	[tilespmem:s31+$0xFFFFFEB0] =	vst v1;
	v0 =	vld [tilespmem:s16+$0xFFFFFFC0]  }
0x1e3: {  	[tilespmem:s31+$0xFFFFFF30] =	vst v2;
	v1 =	vld [tilespmem:s16+$0xFFFFFEC0]  }
0x1e4: {  	v2 =	vld [tilespmem:s16+$0xFFFFFF40];
	_ =	sdelay $0x1  }
0x1e5: {  	v4 =	vld.idx.msk [tilespmem:v4+s3+$0x0], $0xffff;
	[tilespmem:s31+$0xFFFFFE30] =	vst v3  }
0x1e6: {  	v3 =	vld [tilespmem:s16+$0xFFFFFE40]  }
0x1e7: {  	v5 =	vld.idx.msk [tilespmem:v5+s3+$0x0], $0xffff  }
0x1e8: {  	v6 =	vld [tilespmem:s0+$0xFFFFFF10]  }
0x1e9: {  	v0 =	vld.idx.msk [tilespmem:v0+s3+$0x0], $0xffff  }
0x1ea: {  	s2 =	simm.s32 $0xA070;
	v1 =	vld.idx.msk [tilespmem:v1+s3+$0x0], $0xffff  }
0x1eb: {  	[tilespmem:s2+$0xFFFFFF90] =	vst v4;
	v2 =	vld.idx.msk [tilespmem:v2+s3+$0x0], $0xffff  }
0x1ec: {  	[tilespmem:s2+$0xFFFFFE90] =	vst v5;
	v4 =	vld [tilespmem:s0+$0xFFFFFFA0]  }
0x1ed: {  	v5 =	vld [tilespmem:s0+$0xFFFFFEA0]  }
0x1ee: {  	v3 =	vld.idx.msk [tilespmem:v3+s3+$0x0], $0xffff;
	[tilespmem:s31+$0xFFFFFFC0] =	vst v0  }
0x1ef: {  	[tilespmem:s31+$0xFFFFFEC0] =	vst v1;
	v0 =	vld [tilespmem:s16+$0xFFFFFFD0]  }
0x1f0: {  	[tilespmem:s31+$0xFFFFFF40] =	vst v2;
	v1 =	vld [tilespmem:s16+$0xFFFFFED0]  }
0x1f1: {  	v2 =	vld [tilespmem:s16+$0xFFFFFF50]  }
0x1f2: {  	v7 =	vld [tilespmem:s0+$0xFFFFFE10]  }
0x1f3: {  	v6 =	vld.idx.msk [tilespmem:v6+s3+$0x0], $0xffff  }
0x1f4: {  	v4 =	vld.idx.msk [tilespmem:v4+s3+$0x0], $0xffff;
	[tilespmem:s31+$0xFFFFFE40] =	vst v3  }
0x1f5: {  	v3 =	vld [tilespmem:s16+$0xFFFFFE50]  }
0x1f6: {  	v5 =	vld.idx.msk [tilespmem:v5+s3+$0x0], $0xffff  }
0x1f7: {  	v0 =	vld.idx.msk [tilespmem:v0+s3+$0x0], $0xffff  }
0x1f8: {  	v1 =	vld.idx.msk [tilespmem:v1+s3+$0x0], $0xffff  }
0x1f9: {  	[tilespmem:s2+$0xFFFFFF10] =	vst v6;
	v2 =	vld.idx.msk [tilespmem:v2+s3+$0x0], $0xffff  }
0x1fa: {  	[tilespmem:s2+$0xFFFFFFA0] =	vst v4  }
0x1fb: {  	v7 =	vld.idx.msk [tilespmem:v7+s3+$0x0], $0xffff;
	[tilespmem:s2+$0xFFFFFEA0] =	vst v5  }
0x1fc: {  	v5 =	vld [tilespmem:s0+$0xFFFFFFB0];
	[tilespmem:s31+$0xFFFFFFD0] =	vst v0  }
0x1fd: {  	[tilespmem:s31+$0xFFFFFED0] =	vst v1;
	v1 =	vld.idx.msk [tilespmem:v3+s3+$0x0], $0xffff  }
0x1fe: {  	[tilespmem:s31+$0xFFFFFF50] =	vst v2;
	v2 =	vld [tilespmem:s0+$0xFFFFFF20]  }
0x1ff: {  	v0 =	vld [tilespmem:s16+$0xFFFFFFE0]  }
0x200: {  	v3 =	vld [tilespmem:s16+$0xFFFFFEE0]  }
0x201: {  	[tilespmem:s2+$0xFFFFFE10] =	vst v7;
	v6 =	vld [tilespmem:s16+$0xFFFFFF60]  }
0x202: {  	[tilespmem:s31+$0xFFFFFE50] =	vst v1;
	v1 =	vld [tilespmem:s0+$0xFFFFFE20]  }
0x203: {  	v7 =	vld [tilespmem:s16+$0xFFFFFE60];
	_ =	sdelay $0x1  }
0x204: {  	v5 =	vld.idx.msk [tilespmem:v5+s3+$0x0], $0xffff  }
0x205: {  	v2 =	vld.idx.msk [tilespmem:v2+s3+$0x0], $0xffff  }
0x206: {  	v0 =	vld.idx.msk [tilespmem:v0+s3+$0x0], $0xffff  }
0x207: {  	v3 =	vld.idx.msk [tilespmem:v3+s3+$0x0], $0xffff  }
0x208: {  	v6 =	vld.idx.msk [tilespmem:v6+s3+$0x0], $0xffff  }
0x209: {  	v1 =	vld.idx.msk [tilespmem:v1+s3+$0x0], $0xffff  }
0x20a: {  	v4 =	vld.idx.msk [tilespmem:v7+s3+$0x0], $0xffff  }
0x20b: {  	[tilespmem:s2+$0xFFFFFF20] =	vst v2;
	v7 =	vld [tilespmem:s0+$0xFFFFFEB0]  }
0x20c: {  	[tilespmem:s31+$0xFFFFFFE0] =	vst v0;
	v2 =	vld [tilespmem:s0+$0xFFFFFF30]  }
0x20d: {  	[tilespmem:s31+$0xFFFFFEE0] =	vst v3;
	v0 =	vld [tilespmem:s16+$0xFFFFFFF0]  }
0x20e: {  	v3 =	vld [tilespmem:s16+$0xFFFFFEF0];
	[tilespmem:s2+$0xFFFFFE20] =	vst v1  }
0x20f: {  	v1 =	vld [tilespmem:s0+$0xFFFFFE30];
	[tilespmem:s31+$0xFFFFFE60] =	vst v4  }
0x210: {  	[tilespmem:s2+$0xFFFFFFB0] =	vst v5;
	v4 =	vld [tilespmem:s16+$0xFFFFFE70]  }
0x211: {  	v5 =	vld [tilespmem:s0+$0xFFFFFFC0];
	[tilespmem:s31+$0xFFFFFF60] =	vst v6  }
0x212: {  	v6 =	vld [tilespmem:s16+$0xFFFFFF70]  }
0x213: {  	v7 =	vld.idx.msk [tilespmem:v7+s3+$0x0], $0xffff  }
0x214: {  	v2 =	vld.idx.msk [tilespmem:v2+s3+$0x0], $0xffff  }
0x215: {  	v0 =	vld.idx.msk [tilespmem:v0+s3+$0x0], $0xffff  }
0x216: {  	v3 =	vld.idx.msk [tilespmem:v3+s3+$0x0], $0xffff  }
0x217: {  	v1 =	vld.idx.msk [tilespmem:v1+s3+$0x0], $0xffff  }
0x218: {  	[tilespmem:s2+$0xFFFFFEB0] =	vst v7;
	v4 =	vld.idx.msk [tilespmem:v4+s3+$0x0], $0xffff  }
0x219: {  	[tilespmem:s2+$0xFFFFFF30] =	vst v2;
	v7 =	vld [tilespmem:s0+$0xFFFFFEC0]  }
0x21a: {  	[tilespmem:s31+$0xFFFFFFF0] =	vst v0;
	v2 =	vld [tilespmem:s0+$0xFFFFFF40]  }
0x21b: {  	v0 =	vld [tilespmem:s16+$0x0]  }
0x21c: {  	v6 =	vld.idx.msk [tilespmem:v6+s3+$0x0], $0xffff;
	[tilespmem:s2+$0xFFFFFE30] =	vst v1  }
0x21d: {  	[tilespmem:s31+$0xFFFFFEF0] =	vst v3;
	v1 =	vld [tilespmem:s0+$0xFFFFFE40]  }
0x21e: {  	v3 =	vld.idx.msk [tilespmem:v5+s3+$0x0], $0xffff;
	[tilespmem:s31+$0xFFFFFE70] =	vst v4  }
0x21f: {  	v4 =	vld [tilespmem:s16+$0xFFFFFE80]  }
0x220: {  	v9 =	vld [tilespmem:s16+$0xFFFFFF00]  }
0x221: {  	v5 =	vld.idx.msk [tilespmem:v7+s3+$0x0], $0xffff  }
0x222: {  	v2 =	vld.idx.msk [tilespmem:v2+s3+$0x0], $0xffff  }
0x223: {  	[tilespmem:s31+$0xFFFFFF70] =	vst v6;
	v8 =	vld.idx.msk [tilespmem:v0+s3+$0x0], $0xffff  }
0x224: {  	v0 =	vld [tilespmem:s16+$0xFFFFFF80]  }
0x225: {  	[tilespmem:s2+$0xFFFFFFC0] =	vst v3;
	v6 =	vld.idx.msk [tilespmem:v1+s3+$0x0], $0xffff  }
0x226: {  	[tilespmem:s2+$0xFFFFFEC0] =	vst v5;
	v5 =	vld [tilespmem:s0+$0xFFFFFFD0]  }
0x227: {  	v1 =	vld.idx.msk [tilespmem:v4+s3+$0x0], $0xffff  }
0x228: {  	[tilespmem:s2+$0xFFFFFF40] =	vst v2;
	v2 =	vld.idx.msk [tilespmem:v9+s3+$0x0], $0xffff  }
0x229: {  	v3 =	vld [tilespmem:s0+$0xFFFFFED0]  }
0x22a: {  	s15 =	simm.s32 $0x74;
	s1 =	simm.s32 $0xA070;
	s16 =	simm.s32 $0x3E70;
	v4 =	vld [tilespmem:s0+$0xFFFFFF50];
	[tilespmem:s31+$0x0] =	vst v8  }
.LBB2_6:
0x22b: {  	v7 =	vld [tilespmem:s16+$0xFFFFFF90];
	s15 =	sadd.s32 $0x4, s15;
	[tilespmem:s2+$0xFFFFFE40] =	vst v6  }
0x22c: {  	v6 =	vld [tilespmem:s16+$0xFFFFFE90];
	p0 =	slt.u32 s15, $0xA4;
	[tilespmem:s31+$0xFFFFFE80] =	vst v1  }
0x22d: {  	v1 =	vld [tilespmem:s16+$0xFFFFFF10]  }
0x22e: {  	v8 =	vld [tilespmem:s16+$0xFFFFFE10]  }
0x22f: {  	v5 =	vld.idx.msk [tilespmem:v5+s3+$0x0], $0xffff  }
0x230: {  	v9 =	vld [tilespmem:s0+$0xFFFFFE50];
	[tilespmem:s31+$0xFFFFFF00] =	vst v2  }
0x231: {  	v2 =	vld.idx.msk [tilespmem:v3+s3+$0x0], $0xffff  }
0x232: {  	v3 =	vld.idx.msk [tilespmem:v4+s3+$0x0], $0xffff  }
0x233: {  	v4 =	vld.idx.msk [tilespmem:v7+s3+$0x0], $0xffff  }
0x234: {  	v6 =	vld.idx.msk [tilespmem:v6+s3+$0x0], $0xffff  }
0x235: {  	v1 =	vld.idx.msk [tilespmem:v1+s3+$0x0], $0xffff;
	[tilespmem:s2+$0xFFFFFFD0] =	vst v5  }
0x236: {  	v5 =	vld [tilespmem:s0+$0xFFFFFFE0]  }
0x237: {  	v7 =	vld.idx.msk [tilespmem:v8+s3+$0x0], $0xffff;
	[tilespmem:s2+$0xFFFFFED0] =	vst v2  }
0x238: {  	s2 =	sadd.s32 $0x200, s2;
	v2 =	vld.idx.msk [tilespmem:v9+s3+$0x0], $0xffff;
	[tilespmem:s1+$0xFFFFFF50] =	vst v3  }
0x239: {  	[tilespmem:s2+$0xFFFFFF90] =	vst v4;
	v3 =	vld [tilespmem:s0+$0xFFFFFEE0]  }
0x23a: {  	[tilespmem:s2+$0xFFFFFE90] =	vst v6;
	v4 =	vld [tilespmem:s16+$0xFFFFFFA0]  }
0x23b: {  	v6 =	vld [tilespmem:s16+$0xFFFFFEA0];
	[tilespmem:s2+$0xFFFFFF10] =	vst v1  }
0x23c: {  	v1 =	vld [tilespmem:s16+$0xFFFFFF20]  }
0x23d: {  	[tilespmem:s2+$0xFFFFFE10] =	vst v7;
	v7 =	vld [tilespmem:s0+$0xFFFFFF60]  }
0x23e: {  	[tilespmem:s1+$0xFFFFFE50] =	vst v2;
	v2 =	vld.idx.msk [tilespmem:v5+s3+$0x0], $0xffff  }
0x23f: {  	v5 =	vld [tilespmem:s16+$0xFFFFFE20]  }
0x240: {  	v8 =	vld [tilespmem:s0+$0xFFFFFE60]  }
0x241: {  	v3 =	vld.idx.msk [tilespmem:v3+s3+$0x0], $0xffff  }
0x242: {  	v4 =	vld.idx.msk [tilespmem:v4+s3+$0x0], $0xffff  }
0x243: {  	v6 =	vld.idx.msk [tilespmem:v6+s3+$0x0], $0xffff  }
0x244: {  	v1 =	vld.idx.msk [tilespmem:v1+s3+$0x0], $0xffff;
	[tilespmem:s1+$0xFFFFFFE0] =	vst v2  }
0x245: {  	v2 =	vld [tilespmem:s0+$0xFFFFFFF0]  }
0x246: {  	v7 =	vld.idx.msk [tilespmem:v7+s3+$0x0], $0xffff  }
0x247: {  	v5 =	vld.idx.msk [tilespmem:v5+s3+$0x0], $0xffff;
	[tilespmem:s1+$0xFFFFFEE0] =	vst v3  }
0x248: {  	[tilespmem:s2+$0xFFFFFFA0] =	vst v4;
	v3 =	vld.idx.msk [tilespmem:v8+s3+$0x0], $0xffff  }
0x249: {  	[tilespmem:s2+$0xFFFFFEA0] =	vst v6;
	v4 =	vld [tilespmem:s16+$0xFFFFFFB0]  }
0x24a: {  	v6 =	vld [tilespmem:s16+$0xFFFFFEB0];
	[tilespmem:s2+$0xFFFFFF20] =	vst v1  }
0x24b: {  	v1 =	vld [tilespmem:s16+$0xFFFFFF30]  }
0x24c: {  	v8 =	vld [tilespmem:s0+$0xFFFFFEF0];
	[tilespmem:s1+$0xFFFFFF60] =	vst v7  }
0x24d: {  	[tilespmem:s2+$0xFFFFFE20] =	vst v5;
	v2 =	vld.idx.msk [tilespmem:v2+s3+$0x0], $0xffff  }
0x24e: {  	v5 =	vld [tilespmem:s16+$0xFFFFFE30];
	[tilespmem:s1+$0xFFFFFE60] =	vst v3  }
0x24f: {  	v3 =	vld [tilespmem:s0+$0xFFFFFE70]  }
0x250: {  	v7 =	vld [tilespmem:s0+$0xFFFFFF70]  }
0x251: {  	v4 =	vld.idx.msk [tilespmem:v4+s3+$0x0], $0xffff  }
0x252: {  	v6 =	vld.idx.msk [tilespmem:v6+s3+$0x0], $0xffff  }
0x253: {  	v1 =	vld.idx.msk [tilespmem:v1+s3+$0x0], $0xffff;
	[tilespmem:s1+$0xFFFFFFF0] =	vst v2  }
0x254: {  	v2 =	vld [tilespmem:s0+$0x0]  }
0x255: {  	v8 =	vld.idx.msk [tilespmem:v8+s3+$0x0], $0xffff  }
0x256: {  	v5 =	vld.idx.msk [tilespmem:v5+s3+$0x0], $0xffff  }
0x257: {  	[tilespmem:s2+$0xFFFFFFB0] =	vst v4;
	v3 =	vld.idx.msk [tilespmem:v3+s3+$0x0], $0xffff  }
0x258: {  	[tilespmem:s2+$0xFFFFFEB0] =	vst v6;
	v4 =	vld [tilespmem:s16+$0xFFFFFFC0]  }
0x259: {  	v6 =	vld [tilespmem:s16+$0xFFFFFEC0];
	[tilespmem:s2+$0xFFFFFF30] =	vst v1  }
0x25a: {  	v1 =	vld [tilespmem:s16+$0xFFFFFF40]  }
0x25b: {  	[tilespmem:s1+$0xFFFFFEF0] =	vst v8;
	v7 =	vld.idx.msk [tilespmem:v7+s3+$0x0], $0xffff  }
0x25c: {  	[tilespmem:s2+$0xFFFFFE30] =	vst v5;
	v2 =	vld.idx.msk [tilespmem:v2+s3+$0x0], $0xffff  }
0x25d: {  	v5 =	vld [tilespmem:s16+$0xFFFFFE40];
	[tilespmem:s1+$0xFFFFFE70] =	vst v3  }
0x25e: {  	v3 =	vld [tilespmem:s0+$0xFFFFFE80]  }
0x25f: {  	v8 =	vld [tilespmem:s0+$0xFFFFFF00]  }
0x260: {  	v4 =	vld.idx.msk [tilespmem:v4+s3+$0x0], $0xffff  }
0x261: {  	v9 =	vld.idx.msk [tilespmem:v6+s3+$0x0], $0xffff;
	[tilespmem:s1+$0xFFFFFF70] =	vst v7  }
0x262: {  	v7 =	vld.idx.msk [tilespmem:v1+s3+$0x0], $0xffff;
	[tilespmem:s1+$0x0] =	vst v2  }
0x263: {  	v2 =	vld [tilespmem:s0+$0xFFFFFF80];
	s0 =	smov.u32 s16  }
0x264: {  	v10 =	vld.idx.msk [tilespmem:v0+s3+$0x0], $0xffff  }
0x265: {  	v6 =	vld.idx.msk [tilespmem:v5+s3+$0x0], $0xffff  }
.Ltmp2:
0x266: {  	[tilespmem:s2+$0xFFFFFFC0] =	vst v4;
	v1 =	vld.idx.msk [tilespmem:v3+s3+$0x0], $0xffff;
	(pc) =	sbr.rel @p0 .LBB2_6-.Ltmp2, $4  }
0x267: {  	[tilespmem:s2+$0xFFFFFEC0] =	vst v9;
	v5 =	vld [tilespmem:s16+$0xFFFFFFD0]  }
0x268: {  	v3 =	vld [tilespmem:s16+$0xFFFFFED0];
	[tilespmem:s2+$0xFFFFFF40] =	vst v7;
	v0 =	vmov v2  }
0x269: {  	v4 =	vld [tilespmem:s16+$0xFFFFFF50]  }
0x26a: {  	s16 =	sadd.s32 $0x200, s16;
	v2 =	vld.idx.msk [tilespmem:v8+s3+$0x0], $0xffff;
	[tilespmem:s31+$0xFFFFFF80] =	vst v10;
	s31 =	smov.u32 s1;
	s1 =	smov.u32 s2  }
0x26b: {  	[tilespmem:s2+$0xFFFFFE40] =	vst v6  }
0x26c: {  	v6 =	vld [tilespmem:s0+$0xFFFFFE50];
	_ =	sdelay $0x4  }
0x26d: {  	v5 =	vld.idx.msk [tilespmem:v5+s3+$0x0], $0xffff  }
0x26e: {  	v3 =	vld.idx.msk [tilespmem:v3+s3+$0x0], $0xffff  }
0x26f: {  	v4 =	vld.idx.msk [tilespmem:v4+s3+$0x0], $0xffff  }
0x270: {  	v6 =	vld.idx.msk [tilespmem:v6+s3+$0x0], $0xffff;
	_ =	sdelay $0x1  }
0x271: {  	[tilespmem:s2+$0xFFFFFFD0] =	vst v5  }
0x272: {  	v5 =	vld [tilespmem:s0+$0xFFFFFFE0];
	[tilespmem:s2+$0xFFFFFED0] =	vst v3  }
0x273: {  	[tilespmem:s1+$0xFFFFFF50] =	vst v4;
	v4 =	vld [tilespmem:s0+$0xFFFFFEE0]  }
0x274: {  	[tilespmem:s1+$0xFFFFFE50] =	vst v6;
	v6 =	vld [tilespmem:s0+$0xFFFFFF60]  }
0x275: {  	v3 =	vld [tilespmem:s0+$0xFFFFFE60];
	_ =	sdelay $0x4  }
0x276: {  	v5 =	vld.idx.msk [tilespmem:v5+s3+$0x0], $0xffff  }
0x277: {  	v4 =	vld.idx.msk [tilespmem:v4+s3+$0x0], $0xffff  }
0x278: {  	v6 =	vld.idx.msk [tilespmem:v6+s3+$0x0], $0xffff  }
0x279: {  	v3 =	vld.idx.msk [tilespmem:v3+s3+$0x0], $0xffff;
	_ =	sdelay $0x1  }
0x27a: {  	[tilespmem:s1+$0xFFFFFFE0] =	vst v5  }
0x27b: {  	v5 =	vld [tilespmem:s0+$0xFFFFFFF0];
	[tilespmem:s1+$0xFFFFFEE0] =	vst v4  }
0x27c: {  	v4 =	vld [tilespmem:s0+$0xFFFFFEF0];
	[tilespmem:s1+$0xFFFFFF60] =	vst v6  }
0x27d: {  	[tilespmem:s1+$0xFFFFFE60] =	vst v3;
	v6 =	vld [tilespmem:s0+$0xFFFFFF70]  }
0x27e: {  	v3 =	vld [tilespmem:s0+$0xFFFFFE70];
	_ =	sdelay $0x4  }
0x27f: {  	v5 =	vld.idx.msk [tilespmem:v5+s3+$0x0], $0xffff  }
0x280: {  	v4 =	vld.idx.msk [tilespmem:v4+s3+$0x0], $0xffff  }
0x281: {  	v6 =	vld.idx.msk [tilespmem:v6+s3+$0x0], $0xffff  }
0x282: {  	v3 =	vld.idx.msk [tilespmem:v3+s3+$0x0], $0xffff;
	_ =	sdelay $0x1  }
0x283: {  	[tilespmem:s1+$0xFFFFFFF0] =	vst v5  }
0x284: {  	v5 =	vld [tilespmem:s0+$0x0];
	[tilespmem:s1+$0xFFFFFEF0] =	vst v4  }
0x285: {  	v4 =	vld [tilespmem:s0+$0xFFFFFF00];
	[tilespmem:s1+$0xFFFFFF70] =	vst v6  }
0x286: {  	[tilespmem:s1+$0xFFFFFE70] =	vst v3;
	v6 =	vld [tilespmem:s0+$0xFFFFFF80]  }
0x287: {  	v3 =	vld [tilespmem:s0+$0xFFFFFE80];
	_ =	sdelay $0x3  }
0x288: {  	v0 =	vld.idx.msk [tilespmem:v0+s3+$0x0], $0xffff  }
0x289: {  	v5 =	vld.idx.msk [tilespmem:v5+s3+$0x0], $0xffff  }
0x28a: {  	[tilespmem:s31+$0xFFFFFE80] =	vst v1;
	v1 =	vld.idx.msk [tilespmem:v4+s3+$0x0], $0xffff  }
0x28b: {  	[tilespmem:s31+$0xFFFFFF00] =	vst v2;
	v2 =	vld.idx.msk [tilespmem:v6+s3+$0x0], $0xffff  }
0x28c: {  	v3 =	vld.idx.msk [tilespmem:v3+s3+$0x0], $0xffff  }
0x28d: {  	[tilespmem:s31+$0xFFFFFF80] =	vst v0  }
0x28e: {  	[tilespmem:s1+$0x0] =	vst v5  }
0x28f: {  	[tilespmem:s1+$0xFFFFFF00] =	vst v1  }
0x290: {  	[tilespmem:s1+$0xFFFFFF80] =	vst v2  }
0x291: {  	[tilespmem:s1+$0xFFFFFE80] =	vst v3  }
0x292: {  	[hbm4b:s10+s13] =	stream.strided.scatter [tilespmem:s25], [sflag:$0x5], $0x1C00, s14, s13, $0x38;
	[tilespmem:$0xC880] =	vst v63  }
0x293: {  	_ =	swait.ge [sflag:s26], $0x1000  }
0x294: {  	[sflag:s26] =	ssyncset.done $0x0  }
0x295: {  	s31 =	simm.s32 $0x0;
	[sflag:s26] =	ssyncadd.s32 $0xFFFFF000  }
0x296: {  	v0 =	vld [tilespmem:s31+$0x5600]  }
0x297: {  	v1 =	vld [tilespmem:s31+$0x5480]  }
0x298: {  	v2 =	vld [tilespmem:s31+$0x5500]  }
0x299: {  	v3 =	vld [tilespmem:s31+$0x5580]  }
0x29a: {  	v4 =	vld [tilespmem:s31+$0x5490]  }
0x29b: {  	v5 =	vld [tilespmem:s31+$0x5510]  }
0x29c: {  	v6 =	vld [tilespmem:s31+$0x5590]  }
0x29d: {  	v7 =	vld [tilespmem:s31+$0x5610]  }
0x29e: {  	v8 =	vld [tilespmem:s31+$0x54A0]  }
0x29f: {  	s0 =	simm.s32 $0x200;
	v9 =	vld [tilespmem:s31+$0x5520]  }
0x2a0: {  	v10 =	vld [tilespmem:s0+$0x5490]  }
0x2a1: {  	v11 =	vld [tilespmem:s0+$0x5510]  }
0x2a2: {  	v12 =	vld [tilespmem:s0+$0x5590]  }
0x2a3: {  	v13 =	vld [tilespmem:s0+$0x5610]  }
0x2a4: {  	v14 =	vld [tilespmem:s0+$0x54A0]  }
0x2a5: {  	v15 =	vld [tilespmem:s0+$0x5520]  }
0x2a6: {  	v52 =	vld [tilespmem:s0+$0x55A0]  }
0x2a7: {  	v53 =	vld [tilespmem:s0+$0x54B0]  }
0x2a8: {  	v54 =	vld [tilespmem:s0+$0x55B0]  }
0x2a9: {  	v55 =	vld [tilespmem:s0+$0x5540]  }
0x2aa: {  	v1 =	vld.idx.msk [tilespmem:v1+s3+$0x0], $0xffff  }
0x2ab: {  	v2 =	vld.idx.msk [tilespmem:v2+s3+$0x0], $0xffff  }
0x2ac: {  	v3 =	vld.idx.msk [tilespmem:v3+s3+$0x0], $0xffff  }
0x2ad: {  	v56 =	vld [tilespmem:s0+$0x55C0]  }
0x2ae: {  	v0 =	vld.idx.msk [tilespmem:v0+s3+$0x0], $0xffff  }
0x2af: {  	v57 =	vld [tilespmem:s0+$0x54D0];
	[tilespmem:s31+$0xB880] =	vst v1  }
0x2b0: {  	[tilespmem:s31+$0xB900] =	vst v2;
	v4 =	vld.idx.msk [tilespmem:v4+s3+$0x0], $0xffff  }
0x2b1: {  	[tilespmem:s31+$0xB980] =	vst v3;
	v2 =	vld.idx.msk [tilespmem:v5+s3+$0x0], $0xffff  }
0x2b2: {  	v3 =	vld.idx.msk [tilespmem:v6+s3+$0x0], $0xffff  }
0x2b3: {  	[tilespmem:s31+$0xBA00] =	vst v0;
	v5 =	vld [tilespmem:s31+$0x55A0]  }
0x2b4: {  	v1 =	vld.idx.msk [tilespmem:v7+s3+$0x0], $0xffff  }
0x2b5: {  	v6 =	vld [tilespmem:s31+$0x54B0];
	[tilespmem:s31+$0xB890] =	vst v4  }
0x2b6: {  	[tilespmem:s31+$0xB910] =	vst v2;
	v4 =	vld.idx.msk [tilespmem:v8+s3+$0x0], $0xffff  }
0x2b7: {  	v2 =	vld.idx.msk [tilespmem:v9+s3+$0x0], $0xffff  }
0x2b8: {  	[tilespmem:s31+$0xB990] =	vst v3;
	v3 =	vld [tilespmem:s31+$0x5530]  }
0x2b9: {  	v7 =	vld [tilespmem:s31+$0x55B0]  }
0x2ba: {  	v58 =	vld [tilespmem:s0+$0x5550]  }
0x2bb: {  	v5 =	vld.idx.msk [tilespmem:v5+s3+$0x0], $0xffff;
	[tilespmem:s31+$0xB8A0] =	vst v4  }
0x2bc: {  	[tilespmem:s31+$0xB920] =	vst v2;
	v2 =	vld [tilespmem:s31+$0x54C0]  }
0x2bd: {  	v4 =	vld.idx.msk [tilespmem:v6+s3+$0x0], $0xffff  }
0x2be: {  	v59 =	vld [tilespmem:s0+$0x55D0]  }
0x2bf: {  	v6 =	vld [tilespmem:s31+$0x5540]  }
0x2c0: {  	v3 =	vld.idx.msk [tilespmem:v3+s3+$0x0], $0xffff;
	[tilespmem:s31+$0xB9A0] =	vst v5  }
0x2c1: {  	v5 =	vld.idx.msk [tilespmem:v7+s3+$0x0], $0xffff  }
0x2c2: {  	[tilespmem:s31+$0xB8B0] =	vst v4;
	v4 =	vld [tilespmem:s31+$0x55C0]  }
0x2c3: {  	v7 =	vld [tilespmem:s31+$0x54D0]  }
0x2c4: {  	v61 =	vld [tilespmem:s0+$0x5560]  }
0x2c5: {  	v2 =	vld.idx.msk [tilespmem:v2+s3+$0x0], $0xffff  }
0x2c6: {  	v62 =	vld [tilespmem:s0+$0x55E0];
	[tilespmem:s31+$0xB930] =	vst v3  }
0x2c7: {  	v3 =	vld.idx.msk [tilespmem:v6+s3+$0x0], $0xffff  }
0x2c8: {  	v6 =	vld [tilespmem:s31+$0x5550]  }
0x2c9: {  	[tilespmem:s31+$0xB9B0] =	vst v5;
	v5 =	vld [tilespmem:s31+$0x55D0]  }
0x2ca: {  	[tilespmem:s31+$0xB8C0] =	vst v2;
	v2 =	vld.idx.msk [tilespmem:v4+s3+$0x0], $0xffff  }
0x2cb: {  	v4 =	vld.idx.msk [tilespmem:v7+s3+$0x0], $0xffff  }
0x2cc: {  	[tilespmem:s31+$0xB940] =	vst v3;
	v3 =	vld [tilespmem:s31+$0x54E0]  }
0x2cd: {  	v0 =	vld [tilespmem:s31+$0x5620]  }
0x2ce: {  	v7 =	vld [tilespmem:s31+$0x5560]  }
0x2cf: {  	[tilespmem:s31+$0xBA10] =	vst v1;
	v1 =	vld [tilespmem:s31+$0x5630]  }
0x2d0: {  	v6 =	vld.idx.msk [tilespmem:v6+s3+$0x0], $0xffff;
	[tilespmem:s31+$0xB9C0] =	vst v2  }
0x2d1: {  	[tilespmem:s31+$0xB8D0] =	vst v4;
	v4 =	vld [tilespmem:s31+$0x55E0]  }
0x2d2: {  	v2 =	vld.idx.msk [tilespmem:v5+s3+$0x0], $0xffff  }
0x2d3: {  	v5 =	vld [tilespmem:s31+$0x54F0]  }
0x2d4: {  	v3 =	vld.idx.msk [tilespmem:v3+s3+$0x0], $0xffff  }
0x2d5: {  	v0 =	vld.idx.msk [tilespmem:v0+s3+$0x0], $0xffff;
	[tilespmem:s31+$0xB950] =	vst v6  }
0x2d6: {  	v6 =	vld.idx.msk [tilespmem:v7+s3+$0x0], $0xffff  }
0x2d7: {  	v7 =	vld [tilespmem:s0+$0x5580]  }
0x2d8: {  	[tilespmem:s31+$0xB9D0] =	vst v2;
	v2 =	vld [tilespmem:s0+$0x5600]  }
0x2d9: {  	[tilespmem:s31+$0xB8E0] =	vst v3;
	v3 =	vld.idx.msk [tilespmem:v4+s3+$0x0], $0xffff  }
0x2da: {  	v4 =	vld [tilespmem:s0+$0x5480]  }
0x2db: {  	v51 =	vld.idx.msk [tilespmem:v5+s3+$0x0], $0xffff  }
0x2dc: {  	v5 =	vld [tilespmem:s0+$0x5500]  }
0x2dd: {  	v63 =	vld [tilespmem:s0+$0x54F0]  }
0x2de: {  	v8 =	vld [tilespmem:s31+$0x5570]  }
0x2df: {  	[tilespmem:s31+$0xBA20] =	vst v0;
	v0 =	vld [tilespmem:s31+$0x5640]  }
0x2e0: {  	v2 =	vld.idx.msk [tilespmem:v2+s3+$0x0], $0xffff  }
0x2e1: {  	v1 =	vld.idx.msk [tilespmem:v1+s3+$0x0], $0xffff  }
0x2e2: {  	v4 =	vld.idx.msk [tilespmem:v4+s3+$0x0], $0xffff  }
0x2e3: {  	v7 =	vld.idx.msk [tilespmem:v7+s3+$0x0], $0xffff  }
0x2e4: {  	v5 =	vld.idx.msk [tilespmem:v5+s3+$0x0], $0xffff  }
0x2e5: {  	[tilespmem:s0+$0xBA00] =	vst v2;
	v2 =	vld [tilespmem:s0+$0x5620]  }
0x2e6: {  	[tilespmem:s31+$0xBA30] =	vst v1;
	v1 =	vld [tilespmem:s31+$0x5650]  }
0x2e7: {  	[tilespmem:s0+$0xB880] =	vst v4;
	v4 =	vld.idx.msk [tilespmem:v13+s3+$0x0], $0xffff  }
0x2e8: {  	v0 =	vld.idx.msk [tilespmem:v0+s3+$0x0], $0xffff;
	[tilespmem:s0+$0xB980] =	vst v7  }
0x2e9: {  	v7 =	vld.idx.msk [tilespmem:v12+s3+$0x0], $0xffff;
	[tilespmem:s0+$0xB900] =	vst v5  }
0x2ea: {  	v5 =	vld.idx.msk [tilespmem:v11+s3+$0x0], $0xffff  }
0x2eb: {  	v10 =	vld.idx.msk [tilespmem:v10+s3+$0x0], $0xffff  }
0x2ec: {  	[tilespmem:s0+$0xBA10] =	vst v4;
	v4 =	vld [tilespmem:s0+$0x5630]  }
0x2ed: {  	[tilespmem:s31+$0xBA40] =	vst v0;
	v2 =	vld.idx.msk [tilespmem:v2+s3+$0x0], $0xffff  }
0x2ee: {  	v0 =	vld [tilespmem:s31+$0x5660];
	[tilespmem:s0+$0xB990] =	vst v7  }
0x2ef: {  	v7 =	vld [tilespmem:s0+$0x5530];
	[tilespmem:s0+$0xB910] =	vst v5  }
0x2f0: {  	[tilespmem:s0+$0xB890] =	vst v10;
	v5 =	vld.idx.msk [tilespmem:v15+s3+$0x0], $0xffff  }
0x2f1: {  	v10 =	vld.idx.msk [tilespmem:v14+s3+$0x0], $0xffff  }
0x2f2: {  	[tilespmem:s0+$0xBA20] =	vst v2;
	v2 =	vld [tilespmem:s0+$0x5640]  }
0x2f3: {  	v1 =	vld.idx.msk [tilespmem:v1+s3+$0x0], $0xffff  }
0x2f4: {  	v4 =	vld.idx.msk [tilespmem:v4+s3+$0x0], $0xffff  }
0x2f5: {  	[tilespmem:s0+$0xB920] =	vst v5;
	v5 =	vld [tilespmem:s0+$0x54C0]  }
0x2f6: {  	v11 =	vld.idx.msk [tilespmem:v52+s3+$0x0], $0xffff;
	[tilespmem:s0+$0xB8A0] =	vst v10  }
0x2f7: {  	v10 =	vld.idx.msk [tilespmem:v53+s3+$0x0], $0xffff  }
0x2f8: {  	v7 =	vld.idx.msk [tilespmem:v7+s3+$0x0], $0xffff  }
0x2f9: {  	[tilespmem:s0+$0xBA30] =	vst v4;
	v4 =	vld [tilespmem:s0+$0x5650]  }
0x2fa: {  	[tilespmem:s31+$0xBA50] =	vst v1;
	v2 =	vld.idx.msk [tilespmem:v2+s3+$0x0], $0xffff  }
0x2fb: {  	v0 =	vld.idx.msk [tilespmem:v0+s3+$0x0], $0xffff;
	[tilespmem:s0+$0xB9A0] =	vst v11  }
0x2fc: {  	v11 =	vld.idx.msk [tilespmem:v54+s3+$0x0], $0xffff;
	[tilespmem:s0+$0xB8B0] =	vst v10  }
0x2fd: {  	[tilespmem:s0+$0xB930] =	vst v7;
	v5 =	vld.idx.msk [tilespmem:v5+s3+$0x0], $0xffff  }
0x2fe: {  	v7 =	vld.idx.msk [tilespmem:v55+s3+$0x0], $0xffff  }
0x2ff: {  	[tilespmem:s0+$0xBA40] =	vst v2;
	v2 =	vld [tilespmem:s0+$0x5660]  }
0x300: {  	v1 =	vld [tilespmem:s31+$0x5670]  }
0x301: {  	[tilespmem:s0+$0xB9B0] =	vst v11;
	v4 =	vld.idx.msk [tilespmem:v4+s3+$0x0], $0xffff  }
0x302: {  	[tilespmem:s0+$0xB8C0] =	vst v5;
	v5 =	vld.idx.msk [tilespmem:v56+s3+$0x0], $0xffff  }
0x303: {  	[tilespmem:s31+$0xBA60] =	vst v0;
	v0 =	vld [tilespmem:s31+$0x55F0]  }
0x304: {  	[tilespmem:s0+$0xB940] =	vst v7;
	v7 =	vld [tilespmem:s0+$0x54E0]  }
0x305: {  	v60 =	vld.idx.msk [tilespmem:v57+s3+$0x0], $0xffff  }
0x306: {  	[tilespmem:s0+$0xBA50] =	vst v4;
	v4 =	vld [tilespmem:s0+$0x5670]  }
0x307: {  	[tilespmem:s0+$0xB9C0] =	vst v5;
	v2 =	vld.idx.msk [tilespmem:v2+s3+$0x0], $0xffff  }
0x308: {  	v5 =	vld.idx.msk [tilespmem:v59+s3+$0x0], $0xffff  }
0x309: {  	[tilespmem:s31+$0xB960] =	vst v6;
	v12 =	vld.idx.msk [tilespmem:v58+s3+$0x0], $0xffff  }
0x30a: {  	v1 =	vld.idx.msk [tilespmem:v1+s3+$0x0], $0xffff;
	[tilespmem:s31+$0xB9E0] =	vst v3  }
0x30b: {  	v3 =	vld.idx.msk [tilespmem:v8+s3+$0x0], $0xffff;
	[tilespmem:s0+$0xB8D0] =	vst v60  }
0x30c: {  	v7 =	vld.idx.msk [tilespmem:v7+s3+$0x0], $0xffff;
	[tilespmem:s0+$0xBA60] =	vst v2  }
0x30d: {  	[tilespmem:s0+$0xB9D0] =	vst v5;
	v5 =	vld [tilespmem:s0+$0x55F0]  }
0x30e: {  	[tilespmem:s0+$0xB950] =	vst v12;
	v2 =	vld.idx.msk [tilespmem:v4+s3+$0x0], $0xffff  }
0x30f: {  	v4 =	vld.idx.msk [tilespmem:v61+s3+$0x0], $0xffff  }
0x310: {  	[tilespmem:s31+$0xBA70] =	vst v1;
	v1 =	vld [tilespmem:s0+$0x5570]  }
0x311: {  	[tilespmem:s0+$0xB8E0] =	vst v7;
	v7 =	vld.idx.msk [tilespmem:v62+s3+$0x0], $0xffff  }
0x312: {  	s2 =	simm.s32 $0x1000;
	s1 =	simm.s32 $0xAC;
	[tilespmem:s31+$0xB8F0] =	vst v51;
	v6 =	vld.idx.msk [tilespmem:v63+s3+$0x0], $0xffff  }
.LBB2_8:
0x313: {  	s15 =	sshra.s32 s2, $0x2;
	s1 =	sadd.s32 $0x4, s1;
	[tilespmem:s0+$0xBA70] =	vst v2;
	v2 =	vld.idx.msk [tilespmem:v0+s3+$0x0], $0xffff  }
0x314: {  	v8 =	vld [tilespmem:s15+$0x5600];
	p0 =	slt.u32 s1, $0xC4;
	[tilespmem:s0+$0xB960] =	vst v4;
	v0 =	vmov v5  }
0x315: {  	v4 =	vld [tilespmem:s15+$0x5480]  }
0x316: {  	v5 =	vld [tilespmem:s15+$0x5500];
	[tilespmem:s31+$0xB970] =	vst v3  }
0x317: {  	v3 =	vld [tilespmem:s15+$0x5580];
	[tilespmem:s0+$0xB9E0] =	vst v7  }
0x318: {  	v7 =	vld [tilespmem:s15+$0x5490];
	[tilespmem:s0+$0xB8F0] =	vst v6  }
0x319: {  	v6 =	vld [tilespmem:s15+$0x5510];
	[tilespmem:s31+$0xB9F0] =	vst v2;
	s31 =	smov.u32 s0;
	s0 =	smov.u32 s15  }
0x31a: {  	v2 =	vld [tilespmem:s0+$0x5590]  }
0x31b: {  	v9 =	vld [tilespmem:s0+$0x5610]  }
0x31c: {  	v8 =	vld.idx.msk [tilespmem:v8+s3+$0x0], $0xffff  }
0x31d: {  	v4 =	vld.idx.msk [tilespmem:v4+s3+$0x0], $0xffff  }
0x31e: {  	v5 =	vld.idx.msk [tilespmem:v5+s3+$0x0], $0xffff  }
0x31f: {  	v3 =	vld.idx.msk [tilespmem:v3+s3+$0x0], $0xffff  }
0x320: {  	v10 =	vld [tilespmem:s0+$0x54A0]  }
0x321: {  	v11 =	vld [tilespmem:s0+$0x5520]  }
0x322: {  	[tilespmem:s0+$0xBA00] =	vst v8;
	v8 =	vld [tilespmem:s0+$0x5620]  }
0x323: {  	[tilespmem:s0+$0xB880] =	vst v4;
	v4 =	vld.idx.msk [tilespmem:v9+s3+$0x0], $0xffff  }
0x324: {  	v7 =	vld.idx.msk [tilespmem:v7+s3+$0x0], $0xffff;
	[tilespmem:s0+$0xB900] =	vst v5  }
0x325: {  	v5 =	vld.idx.msk [tilespmem:v6+s3+$0x0], $0xffff;
	[tilespmem:s0+$0xB980] =	vst v3  }
0x326: {  	v2 =	vld.idx.msk [tilespmem:v2+s3+$0x0], $0xffff  }
0x327: {  	v3 =	vld [tilespmem:s0+$0x55A0]  }
0x328: {  	v6 =	vld [tilespmem:s0+$0x54B0]  }
0x329: {  	[tilespmem:s0+$0xBA10] =	vst v4;
	v4 =	vld [tilespmem:s0+$0x5630]  }
0x32a: {  	[tilespmem:s0+$0xB890] =	vst v7;
	v7 =	vld.idx.msk [tilespmem:v8+s3+$0x0], $0xffff  }
0x32b: {  	v8 =	vld.idx.msk [tilespmem:v10+s3+$0x0], $0xffff;
	[tilespmem:s0+$0xB910] =	vst v5  }
0x32c: {  	v5 =	vld.idx.msk [tilespmem:v11+s3+$0x0], $0xffff;
	[tilespmem:s0+$0xB990] =	vst v2  }
0x32d: {  	v2 =	vld [tilespmem:s0+$0x5530]  }
0x32e: {  	v9 =	vld [tilespmem:s0+$0x55B0]  }
0x32f: {  	v3 =	vld.idx.msk [tilespmem:v3+s3+$0x0], $0xffff  }
0x330: {  	[tilespmem:s0+$0xBA20] =	vst v7;
	v7 =	vld [tilespmem:s0+$0x5640]  }
0x331: {  	[tilespmem:s0+$0xB8A0] =	vst v8;
	v4 =	vld.idx.msk [tilespmem:v4+s3+$0x0], $0xffff  }
0x332: {  	v6 =	vld.idx.msk [tilespmem:v6+s3+$0x0], $0xffff;
	[tilespmem:s0+$0xB920] =	vst v5  }
0x333: {  	v5 =	vld [tilespmem:s0+$0x54C0]  }
0x334: {  	v8 =	vld [tilespmem:s0+$0x5540]  }
0x335: {  	v2 =	vld.idx.msk [tilespmem:v2+s3+$0x0], $0xffff;
	[tilespmem:s0+$0xB9A0] =	vst v3  }
0x336: {  	v3 =	vld.idx.msk [tilespmem:v9+s3+$0x0], $0xffff  }
0x337: {  	[tilespmem:s0+$0xBA30] =	vst v4;
	v4 =	vld [tilespmem:s0+$0x5650]  }
0x338: {  	[tilespmem:s0+$0xB8B0] =	vst v6;
	v6 =	vld.idx.msk [tilespmem:v7+s3+$0x0], $0xffff  }
0x339: {  	v7 =	vld [tilespmem:s0+$0x55C0]  }
0x33a: {  	v9 =	vld [tilespmem:s0+$0x54D0]  }
0x33b: {  	v5 =	vld.idx.msk [tilespmem:v5+s3+$0x0], $0xffff;
	[tilespmem:s0+$0xB930] =	vst v2  }
0x33c: {  	v2 =	vld.idx.msk [tilespmem:v8+s3+$0x0], $0xffff;
	[tilespmem:s0+$0xB9B0] =	vst v3  }
0x33d: {  	v3 =	vld [tilespmem:s0+$0x5550]  }
0x33e: {  	[tilespmem:s0+$0xBA40] =	vst v6;
	v6 =	vld [tilespmem:s0+$0x5660]  }
0x33f: {  	v4 =	vld.idx.msk [tilespmem:v4+s3+$0x0], $0xffff  }
0x340: {  	v8 =	vld [tilespmem:s0+$0x55D0]  }
0x341: {  	[tilespmem:s0+$0xB8C0] =	vst v5;
	v5 =	vld.idx.msk [tilespmem:v7+s3+$0x0], $0xffff  }
0x342: {  	v7 =	vld.idx.msk [tilespmem:v9+s3+$0x0], $0xffff;
	[tilespmem:s0+$0xB940] =	vst v2  }
0x343: {  	v2 =	vld [tilespmem:s0+$0x54E0]  }
0x344: {  	v9 =	vld [tilespmem:s0+$0x5560]  }
0x345: {  	[tilespmem:s0+$0xBA50] =	vst v4;
	v4 =	vld [tilespmem:s0+$0x5670]  }
0x346: {  	v6 =	vld.idx.msk [tilespmem:v6+s3+$0x0], $0xffff  }
0x347: {  	v3 =	vld.idx.msk [tilespmem:v3+s3+$0x0], $0xffff;
	[tilespmem:s0+$0xB9C0] =	vst v5  }
0x348: {  	[tilespmem:s0+$0xB8D0] =	vst v7;
	v5 =	vld.idx.msk [tilespmem:v8+s3+$0x0], $0xffff  }
0x349: {  	v7 =	vld [tilespmem:s0+$0x55E0]  }
0x34a: {  	v8 =	vld [tilespmem:s0+$0x54F0]  }
0x34b: {  	v10 =	vld.idx.msk [tilespmem:v2+s3+$0x0], $0xffff  }
0x34c: {  	v11 =	vld [tilespmem:s0+$0x5570];
	[tilespmem:s0+$0xBA60] =	vst v6  }
0x34d: {  	[tilespmem:s0+$0xB950] =	vst v3;
	v2 =	vld.idx.msk [tilespmem:v4+s3+$0x0], $0xffff  }
.Ltmp3:
0x34e: {  	v4 =	vld.idx.msk [tilespmem:v9+s3+$0x0], $0xffff;
	[tilespmem:s0+$0xB9D0] =	vst v5;
	(pc) =	sbr.rel @p0 .LBB2_8-.Ltmp3, $4  }
0x34f: {  	v5 =	vld [tilespmem:s0+$0x55F0]  }
0x350: {  	v3 =	vld.idx.msk [tilespmem:v1+s3+$0x0], $0xffff  }
0x351: {  	[tilespmem:s0+$0xB8E0] =	vst v10;
	v7 =	vld.idx.msk [tilespmem:v7+s3+$0x0], $0xffff;
	v1 =	vmov v11  }
0x352: {  	s2 =	sadd.s32 $0x800, s2;
	v6 =	vld.idx.msk [tilespmem:v8+s3+$0x0], $0xffff  }
0x353: {  	_ =	sdelay $0x3  }
0x354: {  	v0 =	vld.idx.msk [tilespmem:v0+s3+$0x0], $0xffff;
	[tilespmem:s0+$0xB960] =	vst v4  }
0x355: {  	v1 =	vld.idx.msk [tilespmem:v1+s3+$0x0], $0xffff;
	[tilespmem:s0+$0xB9E0] =	vst v7  }
0x356: {  	[tilespmem:s0+$0xBA70] =	vst v2;
	v63 =	vld.idx.msk [tilespmem:v5+s3+$0x0], $0xffff  }
0x357: {  	[tilespmem:s31+$0xB970] =	vst v3  }
0x358: {  	[tilespmem:s0+$0xB8F0] =	vst v6  }
0x359: {  	[tilespmem:s31+$0xB9F0] =	vst v0  }
0x35a: {  	[tilespmem:s0+$0xB970] =	vst v1  }
0x35b: {  	[tilespmem:s0+$0xB9F0] =	vst v63  }
0x35c: {  	[hbm4b:s11+s13] =	stream.strided.scatter [tilespmem:s28], [sflag:$0x5], $0x1000, s14, s13, $0x38;
	[tilespmem:$0xC880] =	vst v63  }
0x35d: {  	_ =	swait.ge [sflag:s29], $0x1C00  }
0x35e: {  	[sflag:s29] =	ssyncset.done $0x0  }
0x35f: {  	[sflag:s29] =	ssyncadd.s32 $0xFFFFE400  }
0x360: {  	_ =	swait.ge [sflag:s29], $0x1C00  }
0x361: {  	[sflag:s29] =	ssyncset.done $0x0  }
0x362: {  	s30 =	sadd.s32 $0x1, s30;
	[sflag:s29] =	ssyncadd.s32 $0xFFFFE400  }
0x363: {  	p0 =	sne.s32 s30, s12;
	_ =	swait.ge [sflag:s29], $0x1C00  }
.Ltmp4:
0x364: {  	[sflag:s29] =	ssyncset.done $0x0;
	(pc) =	sbr.rel @p0 .LBB2_1-.Ltmp4, $4  }
0x365: {  	[sflag:s29] =	ssyncadd.s32 $0xFFFFE400  }
0x366: {  	_ =	swait.ge [sflag:s29], $0x1000  }
0x367: {  	[sflag:s29] =	ssyncset.done $0x0  }
0x368: {  	[sflag:s29] =	ssyncadd.s32 $0xFFFFF000  }
0x369: {  	_ =	sfence.sel $0x180000  }
0x36a: {  	[bflag:$0x0] =	sbarrier.arrive $0xFFFF  }
0x36b: {  	_ =	strace $0x90000047  }
0x36c: {  	s0 =	stileid.u32;
	[bflag:$0x2] =	sbarrier.arrive $0xFFFF  }
0x36d: {  	p0 =	sne.s32 s0, $0x0;
	s0 =	rddreg [dreg:$0x3]  }
0x36e: {  	s0 =	sadd.s32 @!p0 $0x100000, s0  }
0x36f: {  	[sflag:s0] =	ssyncadd.tile.s32 @!p0 $0x1;
	_ =	shalt  }
.Lfunc_end2:
_tile_overlayer_lowered:
.L_overlay_start_2:
0x370: {  	(tag) =	ssettag $0x2  }
0x371: {  	s0 =	rddreg [dreg:$0x0];
	s2 =	stileid.u32  }
0x372: {  	s1 =	rddreg [dreg:$0x1];
	p0 =	sne.s32 s2, $0x0  }
0x373: {  	s3 =	rddreg [dreg:$0x2];
	[bflag:$0x3] =	sbarrier.arrive $0xFFFF;
	s2 =	simm.s32 @!p0 $0x1C06  }
0x374: {  	[timem:s3], [sflag:s2] =	dma.local @!p0 [hbm:s0], s1  }
0x375: {  	s0 =	simm.s32 @!p0 $0x6  }
0x376: {  	_ =	swait.ge @!p0 [sflag:s0], s1  }
0x377: {  	s1 =	ssub.s32 @!p0 $0x0, s1;
	[sflag:s0] =	ssyncset.done @!p0 $0x0  }
0x378: {  	[sflag:s0] =	ssyncadd.s32 @!p0 s1  }
0x379: {  	[bflag:$0x3] =	sbarrier.arrive $0xFFFF  }
0x37a: {  	_ =	shalt  }

</sc_bundles>
